<compile_context>
chip_gen: v7x
topology: tpu7x:2x2x1
jax: 0.10.2.dev20260603
libtpu: 0.0.44.dev20260713+nightly
codegen_flags: <defaults>
</compile_context>

<pallas_src>
import functools

import jax
import jax.numpy as jnp
from jax import lax
from jax.experimental import pallas as pl
from jax.experimental.pallas import tpu as pltpu
from jax.experimental.pallas import tpu_sc as plsc

BATCH = 16384
EMB_DIM = 32
HIDDEN = 128
NUM_USERS = 1000000

_U = 65536
_NBLK = -(-NUM_USERS // _U)
_T2_ROWS = _NBLK * (_U // 4)

_NC = 2
_NS = 16
_NW = _NC * _NS
_B_PER_W = BATCH // _NW
_CHUNK = 128
_NCHUNK = _B_PER_W // _CHUNK
_GRP = 16


def _repack_body(in_ref, eye_ref, out_ref):
    l4 = jnp.concatenate(
        [in_ref[:, pl.ds((_U // 4) * q, _U // 4)] for q in range(4)],
        axis=0)
    out_ref[...] = lax.dot_general(
        l4, eye_ref[...],
        dimension_numbers=(((0,), (0,)), ((), ())),
        preferred_element_type=jnp.float32,
    )


def _tc_repack(tablet, eye):
    return pl.pallas_call(
        _repack_body,
        grid=(_NBLK,),
        in_specs=[
            pl.BlockSpec((EMB_DIM, _U), lambda i: (0, i)),
            pl.BlockSpec((128, 128), lambda i: (0, 0)),
        ],
        out_specs=pl.BlockSpec((_U // 4, 128), lambda i: (i, 0)),
        out_shape=jax.ShapeDtypeStruct((_T2_ROWS, 128), jnp.float32),
        compiler_params=pltpu.CompilerParams(
            fuse_transposed_lhs_in_matmul=True),
    )(tablet, eye)


def _gather_body(t2_hbm, rows_hbm, idxf_hbm, out_hbm,
                 ridx_v, idx_f, rows_v, emb_v, sem):
    wid = lax.axis_index("s") * _NC + lax.axis_index("c")
    base = wid * _B_PER_W
    pltpu.sync_copy(rows_hbm.at[wid], ridx_v)
    pltpu.sync_copy(idxf_hbm.at[wid], idx_f)
    lane_iota = lax.iota(jnp.int32, 16)
    for h in range(2):
        copies = [
            pltpu.async_copy(
                t2_hbm.at[ridx_v.at[2 * h + j]],
                rows_v.at[pl.ds(j * _CHUNK, _CHUNK)],
                sem,
            )
            for j in range(_NCHUNK // 2)
        ]
        for c in copies:
            c.wait()

        def group(g, carry):
            r0 = g * _GRP
            vec = idx_f[pl.ds(h * 256 + r0, _GRP)]
            for j in range(_GRP):
                off = ((vec[j] >> 14) & 3) * 32
                row = jnp.full((16,), r0 + j, jnp.int32)
                erow = jnp.full((16,), h * 256 + r0 + j, jnp.int32)
                for k in range(2):
                    lanes = off + k * 16 + lane_iota
                    val = plsc.load_gather(rows_v, [row, lanes])
                    plsc.store_scatter(emb_v, [erow, k * 16 + lane_iota],
                                       val)
            return carry

        lax.fori_loop(0, 256 // _GRP, group, 0)
    pltpu.sync_copy(emb_v, out_hbm.at[pl.ds(base, _B_PER_W)])


@functools.partial(jax.jit, static_argnames=())
def _sc_gather(t2, rows, idxf):
    mesh = plsc.VectorSubcoreMesh(core_axis_name="c", subcore_axis_name="s")
    k = pl.kernel(
        _gather_body,
        out_type=jax.ShapeDtypeStruct((BATCH, EMB_DIM), jnp.float32),
        mesh=mesh,
        scratch_types=[
            pltpu.VMEM((_NCHUNK, _CHUNK), jnp.int32),
            pltpu.VMEM((_B_PER_W,), jnp.int32),
            pltpu.VMEM((_B_PER_W // 2, 128), jnp.float32),
            pltpu.VMEM((_B_PER_W, EMB_DIM), jnp.float32),
            pltpu.SemaphoreType.DMA,
        ],
        compiler_params=pltpu.CompilerParams(needs_layout_passes=False),
    )
    return k(t2, rows.reshape(_NW, _NCHUNK, _CHUNK),
             idxf.reshape(_NW, _B_PER_W))


def _dense_body(emb_ref, w_ref, b_ref, g_ref, beta_ref, out_ref):
    h = jnp.dot(emb_ref[...], w_ref[...], preferred_element_type=jnp.float32)
    h = h + b_ref[...]
    h = jnp.maximum(h, 0.0)
    mean = jnp.mean(h, axis=-1, keepdims=True)
    var = jnp.mean((h - mean) ** 2, axis=-1, keepdims=True)
    h = (h - mean) * lax.rsqrt(var + 1e-5)
    out_ref[...] = h * g_ref[...] + beta_ref[...]


_BLK = 2048


def _tc_dense(emb, W, b, gamma, beta):
    grid = (BATCH // _BLK,)
    return pl.pallas_call(
        _dense_body,
        grid=grid,
        in_specs=[
            pl.BlockSpec((_BLK, EMB_DIM), lambda i: (i, 0)),
            pl.BlockSpec((EMB_DIM, HIDDEN), lambda i: (0, 0)),
            pl.BlockSpec((1, HIDDEN), lambda i: (0, 0)),
            pl.BlockSpec((1, HIDDEN), lambda i: (0, 0)),
            pl.BlockSpec((1, HIDDEN), lambda i: (0, 0)),
        ],
        out_specs=pl.BlockSpec((_BLK, HIDDEN), lambda i: (i, 0)),
        out_shape=jax.ShapeDtypeStruct((BATCH, HIDDEN), jnp.float32),
    )(emb, W, b.reshape(1, HIDDEN), gamma.reshape(1, HIDDEN),
      beta.reshape(1, HIDDEN))


def kernel(user_ids, table, W, b, gamma, beta):
    ids = user_ids.astype(jnp.int32)
    t2 = _tc_repack(table.T, jnp.eye(128, dtype=jnp.float32))
    t2rows = ((ids >> 16) << 14) | (ids & 16383)
    emb = _sc_gather(t2, t2rows, ids)
    return _tc_dense(emb, W, b, gamma, beta)

# --- scband reference (transcript-rebuilt; emitter-appended) ---
"""Pipeline reference for scband-user-idrepresentation-29343216566527 (READ-ONLY COPY).

The authoritative reference and input builder live on the scoring server;
editing this copy changes nothing except your own understanding.
"""

import jax, jax.numpy as jnp
import numpy as np

NUM_USERS = 1000000
EMB_DIM = 32
HIDDEN = 128
BATCH = 16384

def setup_inputs(seed: int = 0) -> dict:
    key = jax.random.key(seed)
    k1, k2, k3, k4 = jax.random.split(key, 4)
    user_ids = jax.random.randint(k1, (BATCH,), 0, NUM_USERS)
    table = jax.random.normal(k2, (NUM_USERS, EMB_DIM), dtype=jnp.float32) * 0.02
    table = table.at[0].set(0.0)  # padding_idx=0
    W = jax.random.normal(k3, (EMB_DIM, HIDDEN), dtype=jnp.float32) * 0.05
    b = jnp.zeros((HIDDEN,), dtype=jnp.float32)
    gamma = jnp.ones((HIDDEN,), dtype=jnp.float32)
    beta = jnp.zeros((HIDDEN,), dtype=jnp.float32)
    return {"user_ids": user_ids, "table": table, "W": W, "b": b, "gamma": gamma, "beta": beta}

def reference(user_ids, table, W, b, gamma, beta):
    # nn.Embedding lookup (padding_idx=0 row is zero in the table itself)
    emb = jnp.take(table, user_ids, axis=0)            # [B, EMB_DIM]
    # Linear -> ReLU -> Dropout(eval=identity) -> LayerNorm
    h = emb @ W + b                                    # [B, HIDDEN]
    h = jax.nn.relu(h)
    mean = jnp.mean(h, axis=-1, keepdims=True)
    var = jnp.var(h, axis=-1, keepdims=True)
    h = (h - mean) / jnp.sqrt(var + 1e-5)
    return h * gamma + beta

if __name__ == "__main__":
    import jax
    _d = setup_inputs()
    print(jax.jit(kernel)(*tuple(_d.values())))

</pallas_src>

<mosaic_0001>
#map = affine_map<(d0, d1) -> (0, 0)>
#map1 = affine_map<(d0, d1) -> (0, 0, 0)>
module attributes {stable_mosaic.version = 14 : i64} {
  func.func @_gather_body(%arg0: i32, %arg1: i32, %arg2: memref<262144x128xf32, #tpu.memory_space<hbm>>, %arg3: memref<32x4x128xi32, #tpu.memory_space<hbm>>, %arg4: memref<32x512xi32, #tpu.memory_space<hbm>>, %arg5: memref<16384x32xf32, #tpu.memory_space<hbm>>, %arg6: memref<4x128xi32, #tpu.memory_space<vmem>>, %arg7: memref<512xi32, #tpu.memory_space<vmem>>, %arg8: memref<256x128xf32, #tpu.memory_space<vmem>>, %arg9: memref<512x32xf32, #tpu.memory_space<vmem>>, %arg10: memref<!tpu.dma_semaphore, #tpu.memory_space<semaphore_mem>>) attributes {dimension_semantics = [#tpu.dimension_semantics<core_parallel>, #tpu.dimension_semantics<subcore_parallel>], iteration_bounds = array<i64: 2, 16>, scalar_prefetch = 0 : i64, scratch_operands = 5 : i64, tpu.core_type = #tpu.core_type<sc_vector_subcore>, window_params = [{transform_indices = #map}, {transform_indices = #map1}, {transform_indices = #map}, {transform_indices = #map}]} {
    %mul3A = arith.constant 2 : i32
    %mul3A_0 = arith.muli %arg1, %mul3A : i32
    %add3A = arith.addi %mul3A_0, %arg0 : i32
    %mul3A_1 = arith.constant 512 : i32
    %mul3A_2 = arith.muli %add3A, %mul3A_1 : i32
    "tpu.region"() ({
      %run_scoped3A = tpu.sem_alloc : memref<!tpu.dma_semaphore, #tpu.memory_space<semaphore_mem>>
      %dma_start3A_92 = arith.constant 0 : i32
      %dma_start3A_93 = arith.constant 0 : i32
      %dma_start3A_94 = tpu.memref_slice %arg3[%add3A, %dma_start3A_92, %dma_start3A_93] : memref<32x4x128xi32, #tpu.memory_space<hbm>> -> memref<1x4x128xi32, #tpu.memory_space<hbm>>
      %dma_start3A_95 = tpu.memref_squeeze %dma_start3A_94 : memref<1x4x128xi32, #tpu.memory_space<hbm>> -> memref<4x128xi32, #tpu.memory_space<hbm>>
      %dma_start3A_96 = arith.constant 0 : i32
      %dma_start3A_97 = arith.constant 0 : i32
      %dma_start3A_98 = tpu.memref_slice %arg3[%add3A, %dma_start3A_96, %dma_start3A_97] : memref<32x4x128xi32, #tpu.memory_space<hbm>> -> memref<1x4x128xi32, #tpu.memory_space<hbm>>
      %dma_start3A_99 = tpu.memref_squeeze %dma_start3A_98 : memref<1x4x128xi32, #tpu.memory_space<hbm>> -> memref<4x128xi32, #tpu.memory_space<hbm>>
      tpu.enqueue_dma source(%dma_start3A_99 : memref<4x128xi32, #tpu.memory_space<hbm>>) target(%arg6 : memref<4x128xi32, #tpu.memory_space<vmem>>) target_semaphore(%run_scoped3A : memref<!tpu.dma_semaphore, #tpu.memory_space<semaphore_mem>>)
      %dma_wait3A_100 = arith.constant 0 : i32
      %dma_wait3A_101 = arith.constant 0 : i32
      %dma_wait3A_102 = tpu.memref_slice %arg3[%add3A, %dma_wait3A_100, %dma_wait3A_101] : memref<32x4x128xi32, #tpu.memory_space<hbm>> -> memref<1x4x128xi32, #tpu.memory_space<hbm>>
      %dma_wait3A_103 = tpu.memref_squeeze %dma_wait3A_102 : memref<1x4x128xi32, #tpu.memory_space<hbm>> -> memref<4x128xi32, #tpu.memory_space<hbm>>
      %dma_wait3A_104 = arith.constant 0 : i32
      %dma_wait3A_105 = arith.constant 0 : i32
      %dma_wait3A_106 = tpu.memref_slice %arg3[%add3A, %dma_wait3A_104, %dma_wait3A_105] : memref<32x4x128xi32, #tpu.memory_space<hbm>> -> memref<1x4x128xi32, #tpu.memory_space<hbm>>
      %dma_wait3A_107 = tpu.memref_squeeze %dma_wait3A_106 : memref<1x4x128xi32, #tpu.memory_space<hbm>> -> memref<4x128xi32, #tpu.memory_space<hbm>>
      tpu.wait_dma2 semaphore(%run_scoped3A : memref<!tpu.dma_semaphore, #tpu.memory_space<semaphore_mem>>) src(%dma_wait3A_107 : memref<4x128xi32, #tpu.memory_space<hbm>>) dst(%arg6 : memref<4x128xi32, #tpu.memory_space<vmem>>)
      tpu.yield
    }) : () -> ()
    "tpu.region"() ({
      %run_scoped3A = tpu.sem_alloc : memref<!tpu.dma_semaphore, #tpu.memory_space<semaphore_mem>>
      %dma_start3A_92 = arith.constant 0 : i32
      %dma_start3A_93 = tpu.memref_slice %arg4[%add3A, %dma_start3A_92] : memref<32x512xi32, #tpu.memory_space<hbm>> -> memref<1x512xi32, #tpu.memory_space<hbm>>
      %dma_start3A_94 = tpu.memref_squeeze %dma_start3A_93 : memref<1x512xi32, #tpu.memory_space<hbm>> -> memref<512xi32, #tpu.memory_space<hbm>>
      %dma_start3A_95 = arith.constant 0 : i32
      %dma_start3A_96 = tpu.memref_slice %arg4[%add3A, %dma_start3A_95] : memref<32x512xi32, #tpu.memory_space<hbm>> -> memref<1x512xi32, #tpu.memory_space<hbm>>
      %dma_start3A_97 = tpu.memref_squeeze %dma_start3A_96 : memref<1x512xi32, #tpu.memory_space<hbm>> -> memref<512xi32, #tpu.memory_space<hbm>>
      tpu.enqueue_dma source(%dma_start3A_97 : memref<512xi32, #tpu.memory_space<hbm>>) target(%arg7 : memref<512xi32, #tpu.memory_space<vmem>>) target_semaphore(%run_scoped3A : memref<!tpu.dma_semaphore, #tpu.memory_space<semaphore_mem>>)
      %dma_wait3A_98 = arith.constant 0 : i32
      %dma_wait3A_99 = tpu.memref_slice %arg4[%add3A, %dma_wait3A_98] : memref<32x512xi32, #tpu.memory_space<hbm>> -> memref<1x512xi32, #tpu.memory_space<hbm>>
      %dma_wait3A_100 = tpu.memref_squeeze %dma_wait3A_99 : memref<1x512xi32, #tpu.memory_space<hbm>> -> memref<512xi32, #tpu.memory_space<hbm>>
      %dma_wait3A_101 = arith.constant 0 : i32
      %dma_wait3A_102 = tpu.memref_slice %arg4[%add3A, %dma_wait3A_101] : memref<32x512xi32, #tpu.memory_space<hbm>> -> memref<1x512xi32, #tpu.memory_space<hbm>>
      %dma_wait3A_103 = tpu.memref_squeeze %dma_wait3A_102 : memref<1x512xi32, #tpu.memory_space<hbm>> -> memref<512xi32, #tpu.memory_space<hbm>>
      tpu.wait_dma2 semaphore(%run_scoped3A : memref<!tpu.dma_semaphore, #tpu.memory_space<semaphore_mem>>) src(%dma_wait3A_103 : memref<512xi32, #tpu.memory_space<hbm>>) dst(%arg7 : memref<512xi32, #tpu.memory_space<vmem>>)
      tpu.yield
    }) : () -> ()
    %iota3A = tpu.iota {dimensions = array<i32: 0>} : vector<16xi32>
    %dma_start3A = arith.constant 0 : i32
    %dma_start3A_3 = arith.constant 0 : i32
    %dma_start3A_4 = arith.constant 0 : i32
    %dma_start3A_5 = tpu.memref_slice %arg8[%dma_start3A_3, %dma_start3A_4] : memref<256x128xf32, #tpu.memory_space<vmem>> -> memref<128x128xf32, #tpu.memory_space<vmem>>
    %dma_start3A_6 = arith.constant 0 : i32
    %dma_start3A_7 = tpu.memref_slice %arg6[%dma_start3A, %dma_start3A_6] : memref<4x128xi32, #tpu.memory_space<vmem>> -> memref<1x128xi32, #tpu.memory_space<vmem>>
    %dma_start3A_8 = tpu.memref_squeeze %dma_start3A_7 : memref<1x128xi32, #tpu.memory_space<vmem>> -> memref<128xi32, #tpu.memory_space<vmem>>
    %dma_start3A_9 = arith.constant 0 : i32
    %dma_start3A_10 = arith.constant 0 : i32
    %dma_start3A_11 = tpu.memref_slice %arg2[%dma_start3A_9, %dma_start3A_10] : memref<262144x128xf32, #tpu.memory_space<hbm>> -> memref<262144x128xf32, #tpu.memory_space<hbm>>
    tpu.enqueue_indirect_dma source(%dma_start3A_11 : memref<262144x128xf32, #tpu.memory_space<hbm>>) target(%dma_start3A_5 : memref<128x128xf32, #tpu.memory_space<vmem>>) offsets(%dma_start3A_8 : memref<128xi32, #tpu.memory_space<vmem>>) semaphore(%arg10 : memref<!tpu.dma_semaphore, #tpu.memory_space<semaphore_mem>>)
    %dma_start3A_12 = arith.constant 1 : i32
    %dma_start3A_13 = arith.constant 128 : i32
    %dma_start3A_14 = arith.constant 0 : i32
    %dma_start3A_15 = tpu.memref_slice %arg8[%dma_start3A_13, %dma_start3A_14] : memref<256x128xf32, #tpu.memory_space<vmem>> -> memref<128x128xf32, #tpu.memory_space<vmem>>
    %dma_start3A_16 = arith.constant 0 : i32
    %dma_start3A_17 = tpu.memref_slice %arg6[%dma_start3A_12, %dma_start3A_16] : memref<4x128xi32, #tpu.memory_space<vmem>> -> memref<1x128xi32, #tpu.memory_space<vmem>>
    %dma_start3A_18 = tpu.memref_squeeze %dma_start3A_17 : memref<1x128xi32, #tpu.memory_space<vmem>> -> memref<128xi32, #tpu.memory_space<vmem>>
    %dma_start3A_19 = arith.constant 0 : i32
    %dma_start3A_20 = arith.constant 0 : i32
    %dma_start3A_21 = tpu.memref_slice %arg2[%dma_start3A_19, %dma_start3A_20] : memref<262144x128xf32, #tpu.memory_space<hbm>> -> memref<262144x128xf32, #tpu.memory_space<hbm>>
    tpu.enqueue_indirect_dma source(%dma_start3A_21 : memref<262144x128xf32, #tpu.memory_space<hbm>>) target(%dma_start3A_15 : memref<128x128xf32, #tpu.memory_space<vmem>>) offsets(%dma_start3A_18 : memref<128xi32, #tpu.memory_space<vmem>>) semaphore(%arg10 : memref<!tpu.dma_semaphore, #tpu.memory_space<semaphore_mem>>)
    %dma_wait3A = arith.constant 0 : i32
    %dma_wait3A_22 = arith.constant 0 : i32
    %dma_wait3A_23 = arith.constant 0 : i32
    %dma_wait3A_24 = tpu.memref_slice %arg8[%dma_wait3A_22, %dma_wait3A_23] : memref<256x128xf32, #tpu.memory_space<vmem>> -> memref<128x128xf32, #tpu.memory_space<vmem>>
    %dma_wait3A_25 = arith.constant 0 : i32
    %dma_wait3A_26 = tpu.memref_slice %arg6[%dma_wait3A, %dma_wait3A_25] : memref<4x128xi32, #tpu.memory_space<vmem>> -> memref<1x128xi32, #tpu.memory_space<vmem>>
    %dma_wait3A_27 = tpu.memref_squeeze %dma_wait3A_26 : memref<1x128xi32, #tpu.memory_space<vmem>> -> memref<128xi32, #tpu.memory_space<vmem>>
    %dma_wait3A_28 = arith.constant 0 : i32
    %dma_wait3A_29 = arith.constant 0 : i32
    %dma_wait3A_30 = tpu.memref_slice %arg2[%dma_wait3A_28, %dma_wait3A_29] : memref<262144x128xf32, #tpu.memory_space<hbm>> -> memref<262144x128xf32, #tpu.memory_space<hbm>>
    tpu.wait_indirect_dma semaphore(%arg10 : memref<!tpu.dma_semaphore, #tpu.memory_space<semaphore_mem>>) src(%dma_wait3A_30 : memref<262144x128xf32, #tpu.memory_space<hbm>>) dst(%dma_wait3A_24 : memref<128x128xf32, #tpu.memory_space<vmem>>)
    %dma_wait3A_31 = arith.constant 1 : i32
    %dma_wait3A_32 = arith.constant 128 : i32
    %dma_wait3A_33 = arith.constant 0 : i32
    %dma_wait3A_34 = tpu.memref_slice %arg8[%dma_wait3A_32, %dma_wait3A_33] : memref<256x128xf32, #tpu.memory_space<vmem>> -> memref<128x128xf32, #tpu.memory_space<vmem>>
    %dma_wait3A_35 = arith.constant 0 : i32
    %dma_wait3A_36 = tpu.memref_slice %arg6[%dma_wait3A_31, %dma_wait3A_35] : memref<4x128xi32, #tpu.memory_space<vmem>> -> memref<1x128xi32, #tpu.memory_space<vmem>>
    %dma_wait3A_37 = tpu.memref_squeeze %dma_wait3A_36 : memref<1x128xi32, #tpu.memory_space<vmem>> -> memref<128xi32, #tpu.memory_space<vmem>>
    %dma_wait3A_38 = arith.constant 0 : i32
    %dma_wait3A_39 = arith.constant 0 : i32
    %dma_wait3A_40 = tpu.memref_slice %arg2[%dma_wait3A_38, %dma_wait3A_39] : memref<262144x128xf32, #tpu.memory_space<hbm>> -> memref<262144x128xf32, #tpu.memory_space<hbm>>
    tpu.wait_indirect_dma semaphore(%arg10 : memref<!tpu.dma_semaphore, #tpu.memory_space<semaphore_mem>>) src(%dma_wait3A_40 : memref<262144x128xf32, #tpu.memory_space<hbm>>) dst(%dma_wait3A_34 : memref<128x128xf32, #tpu.memory_space<vmem>>)
    %scan3A = arith.constant 0 : i32
    %scan3A_41 = arith.constant 0 : i32
    %scan3A_42 = arith.constant 16 : i32
    %scan3A_43 = arith.addi %scan3A_41, %scan3A_42 : i32
    %scan3A_44 = arith.constant 1 : i32
    scf.for %scan3A_92 = %scan3A_41 to %scan3A_43 step %scan3A_44  : i32 {
      %mul3A_93 = arith.constant 16 : i32
      %mul3A_94 = arith.muli %scan3A_92, %mul3A_93 : i32
      %add3A_95 = arith.constant 0 : i32
      %add3A_96 = arith.addi %add3A_95, %mul3A_94 : i32
      %get3A = arith.index_cast %add3A_96 : i32 to index
      %get3A_97 = tpu.vector_load %arg7[%get3A] {strides = array<i32>} : memref<512xi32, #tpu.memory_space<vmem>>, vector<16xi32>,
      %slice3A = vector.extract_strided_slice %get3A_97 {offsets = [0], sizes = [1], strides = [1]} : vector<16xi32> to vector<1xi32>
      %squeeze3A = vector.extract %slice3A[0] : i32 from vector<1xi32>
      %shift_right_arithmetic3A = arith.constant 14 : i32
      %shift_right_arithmetic3A_98 = arith.shrsi %squeeze3A, %shift_right_arithmetic3A : i32
      %and3A = arith.constant 3 : i32
      %and3A_99 = arith.andi %shift_right_arithmetic3A_98, %and3A : i32
      %mul3A_100 = arith.constant 32 : i32
      %mul3A_101 = arith.muli %and3A_99, %mul3A_100 : i32
      %add3A_102 = arith.constant 0 : i32
      %add3A_103 = arith.addi %mul3A_94, %add3A_102 : i32
      %broadcast_in_dim3A = vector.broadcast %add3A_103 : i32 to vector<16xi32>
      %add3A_104 = arith.constant 0 : i32
      %add3A_105 = arith.addi %add3A_104, %mul3A_94 : i32
      %add3A_106 = arith.constant 0 : i32
      %add3A_107 = arith.addi %add3A_105, %add3A_106 : i32
      %broadcast_in_dim3A_108 = vector.broadcast %add3A_107 : i32 to vector<16xi32>
      %add3A_109 = arith.constant 0 : i32
      %add3A_110 = arith.addi %mul3A_101, %add3A_109 : i32
      %add3A_111 = vector.broadcast %add3A_110 : i32 to vector<16xi32>
      %add3A_112 = arith.addi %add3A_111, %iota3A : vector<16xi32>
      %gather3A = tpu.vector_load_idx %arg8[%broadcast_in_dim3A, %add3A_112] : memref<256x128xf32, #tpu.memory_space<vmem>>[vector<16xi32>, vector<16xi32>], vector<16xf32>,
      %add3A_113 = arith.constant 0 : i32
      %add3A_114 = vector.broadcast %add3A_113 : i32 to vector<16xi32>
      %add3A_115 = arith.addi %add3A_114, %iota3A : vector<16xi32>
      tpu.vector_store_idx %arg9[%broadcast_in_dim3A_108, %add3A_115], %gather3A : memref<512x32xf32, #tpu.memory_space<vmem>>[vector<16xi32>, vector<16xi32>], vector<16xf32>,
      %add3A_116 = arith.constant 16 : i32
      %add3A_117 = arith.addi %mul3A_101, %add3A_116 : i32
      %add3A_118 = vector.broadcast %add3A_117 : i32 to vector<16xi32>
      %add3A_119 = arith.addi %add3A_118, %iota3A : vector<16xi32>
      %gather3A_120 = tpu.vector_load_idx %arg8[%broadcast_in_dim3A, %add3A_119] : memref<256x128xf32, #tpu.memory_space<vmem>>[vector<16xi32>, vector<16xi32>], vector<16xf32>,
      %add3A_121 = arith.constant 16 : i32
      %add3A_122 = vector.broadcast %add3A_121 : i32 to vector<16xi32>
      %add3A_123 = arith.addi %add3A_122, %iota3A : vector<16xi32>
      tpu.vector_store_idx %arg9[%broadcast_in_dim3A_108, %add3A_123], %gather3A_120 : memref<512x32xf32, #tpu.memory_space<vmem>>[vector<16xi32>, vector<16xi32>], vector<16xf32>,
      %slice3A_124 = vector.extract_strided_slice %get3A_97 {offsets = [1], sizes = [1], strides = [1]} : vector<16xi32> to vector<1xi32>
      %squeeze3A_125 = vector.extract %slice3A_124[0] : i32 from vector<1xi32>
      %shift_right_arithmetic3A_126 = arith.constant 14 : i32
      %shift_right_arithmetic3A_127 = arith.shrsi %squeeze3A_125, %shift_right_arithmetic3A_126 : i32
      %and3A_128 = arith.constant 3 : i32
      %and3A_129 = arith.andi %shift_right_arithmetic3A_127, %and3A_128 : i32
      %mul3A_130 = arith.constant 32 : i32
      %mul3A_131 = arith.muli %and3A_129, %mul3A_130 : i32
      %add3A_132 = arith.constant 1 : i32
      %add3A_133 = arith.addi %mul3A_94, %add3A_132 : i32
      %broadcast_in_dim3A_134 = vector.broadcast %add3A_133 : i32 to vector<16xi32>
      %add3A_135 = arith.constant 0 : i32
      %add3A_136 = arith.addi %add3A_135, %mul3A_94 : i32
      %add3A_137 = arith.constant 1 : i32
      %add3A_138 = arith.addi %add3A_136, %add3A_137 : i32
      %broadcast_in_dim3A_139 = vector.broadcast %add3A_138 : i32 to vector<16xi32>
      %add3A_140 = arith.constant 0 : i32
      %add3A_141 = arith.addi %mul3A_131, %add3A_140 : i32
      %add3A_142 = vector.broadcast %add3A_141 : i32 to vector<16xi32>
      %add3A_143 = arith.addi %add3A_142, %iota3A : vector<16xi32>
      %gather3A_144 = tpu.vector_load_idx %arg8[%broadcast_in_dim3A_134, %add3A_143] : memref<256x128xf32, #tpu.memory_space<vmem>>[vector<16xi32>, vector<16xi32>], vector<16xf32>,
      %add3A_145 = arith.constant 0 : i32
      %add3A_146 = vector.broadcast %add3A_145 : i32 to vector<16xi32>
      %add3A_147 = arith.addi %add3A_146, %iota3A : vector<16xi32>
      tpu.vector_store_idx %arg9[%broadcast_in_dim3A_139, %add3A_147], %gather3A_144 : memref<512x32xf32, #tpu.memory_space<vmem>>[vector<16xi32>, vector<16xi32>], vector<16xf32>,
      %add3A_148 = arith.constant 16 : i32
      %add3A_149 = arith.addi %mul3A_131, %add3A_148 : i32
      %add3A_150 = vector.broadcast %add3A_149 : i32 to vector<16xi32>
      %add3A_151 = arith.addi %add3A_150, %iota3A : vector<16xi32>
      %gather3A_152 = tpu.vector_load_idx %arg8[%broadcast_in_dim3A_134, %add3A_151] : memref<256x128xf32, #tpu.memory_space<vmem>>[vector<16xi32>, vector<16xi32>], vector<16xf32>,
      %add3A_153 = arith.constant 16 : i32
      %add3A_154 = vector.broadcast %add3A_153 : i32 to vector<16xi32>
      %add3A_155 = arith.addi %add3A_154, %iota3A : vector<16xi32>
      tpu.vector_store_idx %arg9[%broadcast_in_dim3A_139, %add3A_155], %gather3A_152 : memref<512x32xf32, #tpu.memory_space<vmem>>[vector<16xi32>, vector<16xi32>], vector<16xf32>,
      %slice3A_156 = vector.extract_strided_slice %get3A_97 {offsets = [2], sizes = [1], strides = [1]} : vector<16xi32> to vector<1xi32>
      %squeeze3A_157 = vector.extract %slice3A_156[0] : i32 from vector<1xi32>
      %shift_right_arithmetic3A_158 = arith.constant 14 : i32
      %shift_right_arithmetic3A_159 = arith.shrsi %squeeze3A_157, %shift_right_arithmetic3A_158 : i32
      %and3A_160 = arith.constant 3 : i32
      %and3A_161 = arith.andi %shift_right_arithmetic3A_159, %and3A_160 : i32
      %mul3A_162 = arith.constant 32 : i32
      %mul3A_163 = arith.muli %and3A_161, %mul3A_162 : i32
      %add3A_164 = arith.constant 2 : i32
      %add3A_165 = arith.addi %mul3A_94, %add3A_164 : i32
      %broadcast_in_dim3A_166 = vector.broadcast %add3A_165 : i32 to vector<16xi32>
      %add3A_167 = arith.constant 0 : i32
      %add3A_168 = arith.addi %add3A_167, %mul3A_94 : i32
      %add3A_169 = arith.constant 2 : i32
      %add3A_170 = arith.addi %add3A_168, %add3A_169 : i32
      %broadcast_in_dim3A_171 = vector.broadcast %add3A_170 : i32 to vector<16xi32>
      %add3A_172 = arith.constant 0 : i32
      %add3A_173 = arith.addi %mul3A_163, %add3A_172 : i32
      %add3A_174 = vector.broadcast %add3A_173 : i32 to vector<16xi32>
      %add3A_175 = arith.addi %add3A_174, %iota3A : vector<16xi32>
      %gather3A_176 = tpu.vector_load_idx %arg8[%broadcast_in_dim3A_166, %add3A_175] : memref<256x128xf32, #tpu.memory_space<vmem>>[vector<16xi32>, vector<16xi32>], vector<16xf32>,
      %add3A_177 = arith.constant 0 : i32
      %add3A_178 = vector.broadcast %add3A_177 : i32 to vector<16xi32>
      %add3A_179 = arith.addi %add3A_178, %iota3A : vector<16xi32>
      tpu.vector_store_idx %arg9[%broadcast_in_dim3A_171, %add3A_179], %gather3A_176 : memref<512x32xf32, #tpu.memory_space<vmem>>[vector<16xi32>, vector<16xi32>], vector<16xf32>,
      %add3A_180 = arith.constant 16 : i32
      %add3A_181 = arith.addi %mul3A_163, %add3A_180 : i32
      %add3A_182 = vector.broadcast %add3A_181 : i32 to vector<16xi32>
      %add3A_183 = arith.addi %add3A_182, %iota3A : vector<16xi32>
      %gather3A_184 = tpu.vector_load_idx %arg8[%broadcast_in_dim3A_166, %add3A_183] : memref<256x128xf32, #tpu.memory_space<vmem>>[vector<16xi32>, vector<16xi32>], vector<16xf32>,
      %add3A_185 = arith.constant 16 : i32
      %add3A_186 = vector.broadcast %add3A_185 : i32 to vector<16xi32>
      %add3A_187 = arith.addi %add3A_186, %iota3A : vector<16xi32>
      tpu.vector_store_idx %arg9[%broadcast_in_dim3A_171, %add3A_187], %gather3A_184 : memref<512x32xf32, #tpu.memory_space<vmem>>[vector<16xi32>, vector<16xi32>], vector<16xf32>,
      %slice3A_188 = vector.extract_strided_slice %get3A_97 {offsets = [3], sizes = [1], strides = [1]} : vector<16xi32> to vector<1xi32>
      %squeeze3A_189 = vector.extract %slice3A_188[0] : i32 from vector<1xi32>
      %shift_right_arithmetic3A_190 = arith.constant 14 : i32
      %shift_right_arithmetic3A_191 = arith.shrsi %squeeze3A_189, %shift_right_arithmetic3A_190 : i32
      %and3A_192 = arith.constant 3 : i32
      %and3A_193 = arith.andi %shift_right_arithmetic3A_191, %and3A_192 : i32
      %mul3A_194 = arith.constant 32 : i32
      %mul3A_195 = arith.muli %and3A_193, %mul3A_194 : i32
      %add3A_196 = arith.constant 3 : i32
      %add3A_197 = arith.addi %mul3A_94, %add3A_196 : i32
      %broadcast_in_dim3A_198 = vector.broadcast %add3A_197 : i32 to vector<16xi32>
      %add3A_199 = arith.constant 0 : i32
      %add3A_200 = arith.addi %add3A_199, %mul3A_94 : i32
      %add3A_201 = arith.constant 3 : i32
      %add3A_202 = arith.addi %add3A_200, %add3A_201 : i32
      %broadcast_in_dim3A_203 = vector.broadcast %add3A_202 : i32 to vector<16xi32>
      %add3A_204 = arith.constant 0 : i32
      %add3A_205 = arith.addi %mul3A_195, %add3A_204 : i32
      %add3A_206 = vector.broadcast %add3A_205 : i32 to vector<16xi32>
      %add3A_207 = arith.addi %add3A_206, %iota3A : vector<16xi32>
      %gather3A_208 = tpu.vector_load_idx %arg8[%broadcast_in_dim3A_198, %add3A_207] : memref<256x128xf32, #tpu.memory_space<vmem>>[vector<16xi32>, vector<16xi32>], vector<16xf32>,
      %add3A_209 = arith.constant 0 : i32
      %add3A_210 = vector.broadcast %add3A_209 : i32 to vector<16xi32>
      %add3A_211 = arith.addi %add3A_210, %iota3A : vector<16xi32>
      tpu.vector_store_idx %arg9[%broadcast_in_dim3A_203, %add3A_211], %gather3A_208 : memref<512x32xf32, #tpu.memory_space<vmem>>[vector<16xi32>, vector<16xi32>], vector<16xf32>,
      %add3A_212 = arith.constant 16 : i32
      %add3A_213 = arith.addi %mul3A_195, %add3A_212 : i32
      %add3A_214 = vector.broadcast %add3A_213 : i32 to vector<16xi32>
      %add3A_215 = arith.addi %add3A_214, %iota3A : vector<16xi32>
      %gather3A_216 = tpu.vector_load_idx %arg8[%broadcast_in_dim3A_198, %add3A_215] : memref<256x128xf32, #tpu.memory_space<vmem>>[vector<16xi32>, vector<16xi32>], vector<16xf32>,
      %add3A_217 = arith.constant 16 : i32
      %add3A_218 = vector.broadcast %add3A_217 : i32 to vector<16xi32>
      %add3A_219 = arith.addi %add3A_218, %iota3A : vector<16xi32>
      tpu.vector_store_idx %arg9[%broadcast_in_dim3A_203, %add3A_219], %gather3A_216 : memref<512x32xf32, #tpu.memory_space<vmem>>[vector<16xi32>, vector<16xi32>], vector<16xf32>,
      %slice3A_220 = vector.extract_strided_slice %get3A_97 {offsets = [4], sizes = [1], strides = [1]} : vector<16xi32> to vector<1xi32>
      %squeeze3A_221 = vector.extract %slice3A_220[0] : i32 from vector<1xi32>
      %shift_right_arithmetic3A_222 = arith.constant 14 : i32
      %shift_right_arithmetic3A_223 = arith.shrsi %squeeze3A_221, %shift_right_arithmetic3A_222 : i32
      %and3A_224 = arith.constant 3 : i32
      %and3A_225 = arith.andi %shift_right_arithmetic3A_223, %and3A_224 : i32
      %mul3A_226 = arith.constant 32 : i32
      %mul3A_227 = arith.muli %and3A_225, %mul3A_226 : i32
      %add3A_228 = arith.constant 4 : i32
      %add3A_229 = arith.addi %mul3A_94, %add3A_228 : i32
      %broadcast_in_dim3A_230 = vector.broadcast %add3A_229 : i32 to vector<16xi32>
      %add3A_231 = arith.constant 0 : i32
      %add3A_232 = arith.addi %add3A_231, %mul3A_94 : i32
      %add3A_233 = arith.constant 4 : i32
      %add3A_234 = arith.addi %add3A_232, %add3A_233 : i32
      %broadcast_in_dim3A_235 = vector.broadcast %add3A_234 : i32 to vector<16xi32>
      %add3A_236 = arith.constant 0 : i32
      %add3A_237 = arith.addi %mul3A_227, %add3A_236 : i32
      %add3A_238 = vector.broadcast %add3A_237 : i32 to vector<16xi32>
      %add3A_239 = arith.addi %add3A_238, %iota3A : vector<16xi32>
      %gather3A_240 = tpu.vector_load_idx %arg8[%broadcast_in_dim3A_230, %add3A_239] : memref<256x128xf32, #tpu.memory_space<vmem>>[vector<16xi32>, vector<16xi32>], vector<16xf32>,
      %add3A_241 = arith.constant 0 : i32
      %add3A_242 = vector.broadcast %add3A_241 : i32 to vector<16xi32>
      %add3A_243 = arith.addi %add3A_242, %iota3A : vector<16xi32>
      tpu.vector_store_idx %arg9[%broadcast_in_dim3A_235, %add3A_243], %gather3A_240 : memref<512x32xf32, #tpu.memory_space<vmem>>[vector<16xi32>, vector<16xi32>], vector<16xf32>,
      %add3A_244 = arith.constant 16 : i32
      %add3A_245 = arith.addi %mul3A_227, %add3A_244 : i32
      %add3A_246 = vector.broadcast %add3A_245 : i32 to vector<16xi32>
      %add3A_247 = arith.addi %add3A_246, %iota3A : vector<16xi32>
      %gather3A_248 = tpu.vector_load_idx %arg8[%broadcast_in_dim3A_230, %add3A_247] : memref<256x128xf32, #tpu.memory_space<vmem>>[vector<16xi32>, vector<16xi32>], vector<16xf32>,
      %add3A_249 = arith.constant 16 : i32
      %add3A_250 = vector.broadcast %add3A_249 : i32 to vector<16xi32>
      %add3A_251 = arith.addi %add3A_250, %iota3A : vector<16xi32>
      tpu.vector_store_idx %arg9[%broadcast_in_dim3A_235, %add3A_251], %gather3A_248 : memref<512x32xf32, #tpu.memory_space<vmem>>[vector<16xi32>, vector<16xi32>], vector<16xf32>,
      %slice3A_252 = vector.extract_strided_slice %get3A_97 {offsets = [5], sizes = [1], strides = [1]} : vector<16xi32> to vector<1xi32>
      %squeeze3A_253 = vector.extract %slice3A_252[0] : i32 from vector<1xi32>
      %shift_right_arithmetic3A_254 = arith.constant 14 : i32
      %shift_right_arithmetic3A_255 = arith.shrsi %squeeze3A_253, %shift_right_arithmetic3A_254 : i32
      %and3A_256 = arith.constant 3 : i32
      %and3A_257 = arith.andi %shift_right_arithmetic3A_255, %and3A_256 : i32
      %mul3A_258 = arith.constant 32 : i32
      %mul3A_259 = arith.muli %and3A_257, %mul3A_258 : i32
      %add3A_260 = arith.constant 5 : i32
      %add3A_261 = arith.addi %mul3A_94, %add3A_260 : i32
      %broadcast_in_dim3A_262 = vector.broadcast %add3A_261 : i32 to vector<16xi32>
      %add3A_263 = arith.constant 0 : i32
      %add3A_264 = arith.addi %add3A_263, %mul3A_94 : i32
      %add3A_265 = arith.constant 5 : i32
      %add3A_266 = arith.addi %add3A_264, %add3A_265 : i32
      %broadcast_in_dim3A_267 = vector.broadcast %add3A_266 : i32 to vector<16xi32>
      %add3A_268 = arith.constant 0 : i32
      %add3A_269 = arith.addi %mul3A_259, %add3A_268 : i32
      %add3A_270 = vector.broadcast %add3A_269 : i32 to vector<16xi32>
      %add3A_271 = arith.addi %add3A_270, %iota3A : vector<16xi32>
      %gather3A_272 = tpu.vector_load_idx %arg8[%broadcast_in_dim3A_262, %add3A_271] : memref<256x128xf32, #tpu.memory_space<vmem>>[vector<16xi32>, vector<16xi32>], vector<16xf32>,
      %add3A_273 = arith.constant 0 : i32
      %add3A_274 = vector.broadcast %add3A_273 : i32 to vector<16xi32>
      %add3A_275 = arith.addi %add3A_274, %iota3A : vector<16xi32>
      tpu.vector_store_idx %arg9[%broadcast_in_dim3A_267, %add3A_275], %gather3A_272 : memref<512x32xf32, #tpu.memory_space<vmem>>[vector<16xi32>, vector<16xi32>], vector<16xf32>,
      %add3A_276 = arith.constant 16 : i32
      %add3A_277 = arith.addi %mul3A_259, %add3A_276 : i32
      %add3A_278 = vector.broadcast %add3A_277 : i32 to vector<16xi32>
      %add3A_279 = arith.addi %add3A_278, %iota3A : vector<16xi32>
      %gather3A_280 = tpu.vector_load_idx %arg8[%broadcast_in_dim3A_262, %add3A_279] : memref<256x128xf32, #tpu.memory_space<vmem>>[vector<16xi32>, vector<16xi32>], vector<16xf32>,
      %add3A_281 = arith.constant 16 : i32
      %add3A_282 = vector.broadcast %add3A_281 : i32 to vector<16xi32>
      %add3A_283 = arith.addi %add3A_282, %iota3A : vector<16xi32>
      tpu.vector_store_idx %arg9[%broadcast_in_dim3A_267, %add3A_283], %gather3A_280 : memref<512x32xf32, #tpu.memory_space<vmem>>[vector<16xi32>, vector<16xi32>], vector<16xf32>,
      %slice3A_284 = vector.extract_strided_slice %get3A_97 {offsets = [6], sizes = [1], strides = [1]} : vector<16xi32> to vector<1xi32>
      %squeeze3A_285 = vector.extract %slice3A_284[0] : i32 from vector<1xi32>
      %shift_right_arithmetic3A_286 = arith.constant 14 : i32
      %shift_right_arithmetic3A_287 = arith.shrsi %squeeze3A_285, %shift_right_arithmetic3A_286 : i32
      %and3A_288 = arith.constant 3 : i32
      %and3A_289 = arith.andi %shift_right_arithmetic3A_287, %and3A_288 : i32
      %mul3A_290 = arith.constant 32 : i32
      %mul3A_291 = arith.muli %and3A_289, %mul3A_290 : i32
      %add3A_292 = arith.constant 6 : i32
      %add3A_293 = arith.addi %mul3A_94, %add3A_292 : i32
      %broadcast_in_dim3A_294 = vector.broadcast %add3A_293 : i32 to vector<16xi32>
      %add3A_295 = arith.constant 0 : i32
      %add3A_296 = arith.addi %add3A_295, %mul3A_94 : i32
      %add3A_297 = arith.constant 6 : i32
      %add3A_298 = arith.addi %add3A_296, %add3A_297 : i32
      %broadcast_in_dim3A_299 = vector.broadcast %add3A_298 : i32 to vector<16xi32>
      %add3A_300 = arith.constant 0 : i32
      %add3A_301 = arith.addi %mul3A_291, %add3A_300 : i32
      %add3A_302 = vector.broadcast %add3A_301 : i32 to vector<16xi32>
      %add3A_303 = arith.addi %add3A_302, %iota3A : vector<16xi32>
      %gather3A_304 = tpu.vector_load_idx %arg8[%broadcast_in_dim3A_294, %add3A_303] : memref<256x128xf32, #tpu.memory_space<vmem>>[vector<16xi32>, vector<16xi32>], vector<16xf32>,
      %add3A_305 = arith.constant 0 : i32
      %add3A_306 = vector.broadcast %add3A_305 : i32 to vector<16xi32>
      %add3A_307 = arith.addi %add3A_306, %iota3A : vector<16xi32>
      tpu.vector_store_idx %arg9[%broadcast_in_dim3A_299, %add3A_307], %gather3A_304 : memref<512x32xf32, #tpu.memory_space<vmem>>[vector<16xi32>, vector<16xi32>], vector<16xf32>,
      %add3A_308 = arith.constant 16 : i32
      %add3A_309 = arith.addi %mul3A_291, %add3A_308 : i32
      %add3A_310 = vector.broadcast %add3A_309 : i32 to vector<16xi32>
      %add3A_311 = arith.addi %add3A_310, %iota3A : vector<16xi32>
      %gather3A_312 = tpu.vector_load_idx %arg8[%broadcast_in_dim3A_294, %add3A_311] : memref<256x128xf32, #tpu.memory_space<vmem>>[vector<16xi32>, vector<16xi32>], vector<16xf32>,
      %add3A_313 = arith.constant 16 : i32
      %add3A_314 = vector.broadcast %add3A_313 : i32 to vector<16xi32>
      %add3A_315 = arith.addi %add3A_314, %iota3A : vector<16xi32>
      tpu.vector_store_idx %arg9[%broadcast_in_dim3A_299, %add3A_315], %gather3A_312 : memref<512x32xf32, #tpu.memory_space<vmem>>[vector<16xi32>, vector<16xi32>], vector<16xf32>,
      %slice3A_316 = vector.extract_strided_slice %get3A_97 {offsets = [7], sizes = [1], strides = [1]} : vector<16xi32> to vector<1xi32>
      %squeeze3A_317 = vector.extract %slice3A_316[0] : i32 from vector<1xi32>
      %shift_right_arithmetic3A_318 = arith.constant 14 : i32
      %shift_right_arithmetic3A_319 = arith.shrsi %squeeze3A_317, %shift_right_arithmetic3A_318 : i32
      %and3A_320 = arith.constant 3 : i32
      %and3A_321 = arith.andi %shift_right_arithmetic3A_319, %and3A_320 : i32
      %mul3A_322 = arith.constant 32 : i32
      %mul3A_323 = arith.muli %and3A_321, %mul3A_322 : i32
      %add3A_324 = arith.constant 7 : i32
      %add3A_325 = arith.addi %mul3A_94, %add3A_324 : i32
      %broadcast_in_dim3A_326 = vector.broadcast %add3A_325 : i32 to vector<16xi32>
      %add3A_327 = arith.constant 0 : i32
      %add3A_328 = arith.addi %add3A_327, %mul3A_94 : i32
      %add3A_329 = arith.constant 7 : i32
      %add3A_330 = arith.addi %add3A_328, %add3A_329 : i32
      %broadcast_in_dim3A_331 = vector.broadcast %add3A_330 : i32 to vector<16xi32>
      %add3A_332 = arith.constant 0 : i32
      %add3A_333 = arith.addi %mul3A_323, %add3A_332 : i32
      %add3A_334 = vector.broadcast %add3A_333 : i32 to vector<16xi32>
      %add3A_335 = arith.addi %add3A_334, %iota3A : vector<16xi32>
      %gather3A_336 = tpu.vector_load_idx %arg8[%broadcast_in_dim3A_326, %add3A_335] : memref<256x128xf32, #tpu.memory_space<vmem>>[vector<16xi32>, vector<16xi32>], vector<16xf32>,
      %add3A_337 = arith.constant 0 : i32
      %add3A_338 = vector.broadcast %add3A_337 : i32 to vector<16xi32>
      %add3A_339 = arith.addi %add3A_338, %iota3A : vector<16xi32>
      tpu.vector_store_idx %arg9[%broadcast_in_dim3A_331, %add3A_339], %gather3A_336 : memref<512x32xf32, #tpu.memory_space<vmem>>[vector<16xi32>, vector<16xi32>], vector<16xf32>,
      %add3A_340 = arith.constant 16 : i32
      %add3A_341 = arith.addi %mul3A_323, %add3A_340 : i32
      %add3A_342 = vector.broadcast %add3A_341 : i32 to vector<16xi32>
      %add3A_343 = arith.addi %add3A_342, %iota3A : vector<16xi32>
      %gather3A_344 = tpu.vector_load_idx %arg8[%broadcast_in_dim3A_326, %add3A_343] : memref<256x128xf32, #tpu.memory_space<vmem>>[vector<16xi32>, vector<16xi32>], vector<16xf32>,
      %add3A_345 = arith.constant 16 : i32
      %add3A_346 = vector.broadcast %add3A_345 : i32 to vector<16xi32>
      %add3A_347 = arith.addi %add3A_346, %iota3A : vector<16xi32>
      tpu.vector_store_idx %arg9[%broadcast_in_dim3A_331, %add3A_347], %gather3A_344 : memref<512x32xf32, #tpu.memory_space<vmem>>[vector<16xi32>, vector<16xi32>], vector<16xf32>,
      %slice3A_348 = vector.extract_strided_slice %get3A_97 {offsets = [8], sizes = [1], strides = [1]} : vector<16xi32> to vector<1xi32>
      %squeeze3A_349 = vector.extract %slice3A_348[0] : i32 from vector<1xi32>
      %shift_right_arithmetic3A_350 = arith.constant 14 : i32
      %shift_right_arithmetic3A_351 = arith.shrsi %squeeze3A_349, %shift_right_arithmetic3A_350 : i32
      %and3A_352 = arith.constant 3 : i32
      %and3A_353 = arith.andi %shift_right_arithmetic3A_351, %and3A_352 : i32
      %mul3A_354 = arith.constant 32 : i32
      %mul3A_355 = arith.muli %and3A_353, %mul3A_354 : i32
      %add3A_356 = arith.constant 8 : i32
      %add3A_357 = arith.addi %mul3A_94, %add3A_356 : i32
      %broadcast_in_dim3A_358 = vector.broadcast %add3A_357 : i32 to vector<16xi32>
      %add3A_359 = arith.constant 0 : i32
      %add3A_360 = arith.addi %add3A_359, %mul3A_94 : i32
      %add3A_361 = arith.constant 8 : i32
      %add3A_362 = arith.addi %add3A_360, %add3A_361 : i32
      %broadcast_in_dim3A_363 = vector.broadcast %add3A_362 : i32 to vector<16xi32>
      %add3A_364 = arith.constant 0 : i32
      %add3A_365 = arith.addi %mul3A_355, %add3A_364 : i32
      %add3A_366 = vector.broadcast %add3A_365 : i32 to vector<16xi32>
      %add3A_367 = arith.addi %add3A_366, %iota3A : vector<16xi32>
      %gather3A_368 = tpu.vector_load_idx %arg8[%broadcast_in_dim3A_358, %add3A_367] : memref<256x128xf32, #tpu.memory_space<vmem>>[vector<16xi32>, vector<16xi32>], vector<16xf32>,
      %add3A_369 = arith.constant 0 : i32
      %add3A_370 = vector.broadcast %add3A_369 : i32 to vector<16xi32>
      %add3A_371 = arith.addi %add3A_370, %iota3A : vector<16xi32>
      tpu.vector_store_idx %arg9[%broadcast_in_dim3A_363, %add3A_371], %gather3A_368 : memref<512x32xf32, #tpu.memory_space<vmem>>[vector<16xi32>, vector<16xi32>], vector<16xf32>,
      %add3A_372 = arith.constant 16 : i32
      %add3A_373 = arith.addi %mul3A_355, %add3A_372 : i32
      %add3A_374 = vector.broadcast %add3A_373 : i32 to vector<16xi32>
      %add3A_375 = arith.addi %add3A_374, %iota3A : vector<16xi32>
      %gather3A_376 = tpu.vector_load_idx %arg8[%broadcast_in_dim3A_358, %add3A_375] : memref<256x128xf32, #tpu.memory_space<vmem>>[vector<16xi32>, vector<16xi32>], vector<16xf32>,
      %add3A_377 = arith.constant 16 : i32
      %add3A_378 = vector.broadcast %add3A_377 : i32 to vector<16xi32>
      %add3A_379 = arith.addi %add3A_378, %iota3A : vector<16xi32>
      tpu.vector_store_idx %arg9[%broadcast_in_dim3A_363, %add3A_379], %gather3A_376 : memref<512x32xf32, #tpu.memory_space<vmem>>[vector<16xi32>, vector<16xi32>], vector<16xf32>,
      %slice3A_380 = vector.extract_strided_slice %get3A_97 {offsets = [9], sizes = [1], strides = [1]} : vector<16xi32> to vector<1xi32>
      %squeeze3A_381 = vector.extract %slice3A_380[0] : i32 from vector<1xi32>
      %shift_right_arithmetic3A_382 = arith.constant 14 : i32
      %shift_right_arithmetic3A_383 = arith.shrsi %squeeze3A_381, %shift_right_arithmetic3A_382 : i32
      %and3A_384 = arith.constant 3 : i32
      %and3A_385 = arith.andi %shift_right_arithmetic3A_383, %and3A_384 : i32
      %mul3A_386 = arith.constant 32 : i32
      %mul3A_387 = arith.muli %and3A_385, %mul3A_386 : i32
      %add3A_388 = arith.constant 9 : i32
      %add3A_389 = arith.addi %mul3A_94, %add3A_388 : i32
      %broadcast_in_dim3A_390 = vector.broadcast %add3A_389 : i32 to vector<16xi32>
      %add3A_391 = arith.constant 0 : i32
      %add3A_392 = arith.addi %add3A_391, %mul3A_94 : i32
      %add3A_393 = arith.constant 9 : i32
      %add3A_394 = arith.addi %add3A_392, %add3A_393 : i32
      %broadcast_in_dim3A_395 = vector.broadcast %add3A_394 : i32 to vector<16xi32>
      %add3A_396 = arith.constant 0 : i32
      %add3A_397 = arith.addi %mul3A_387, %add3A_396 : i32
      %add3A_398 = vector.broadcast %add3A_397 : i32 to vector<16xi32>
      %add3A_399 = arith.addi %add3A_398, %iota3A : vector<16xi32>
      %gather3A_400 = tpu.vector_load_idx %arg8[%broadcast_in_dim3A_390, %add3A_399] : memref<256x128xf32, #tpu.memory_space<vmem>>[vector<16xi32>, vector<16xi32>], vector<16xf32>,
      %add3A_401 = arith.constant 0 : i32
      %add3A_402 = vector.broadcast %add3A_401 : i32 to vector<16xi32>
      %add3A_403 = arith.addi %add3A_402, %iota3A : vector<16xi32>
      tpu.vector_store_idx %arg9[%broadcast_in_dim3A_395, %add3A_403], %gather3A_400 : memref<512x32xf32, #tpu.memory_space<vmem>>[vector<16xi32>, vector<16xi32>], vector<16xf32>,
      %add3A_404 = arith.constant 16 : i32
      %add3A_405 = arith.addi %mul3A_387, %add3A_404 : i32
      %add3A_406 = vector.broadcast %add3A_405 : i32 to vector<16xi32>
      %add3A_407 = arith.addi %add3A_406, %iota3A : vector<16xi32>
      %gather3A_408 = tpu.vector_load_idx %arg8[%broadcast_in_dim3A_390, %add3A_407] : memref<256x128xf32, #tpu.memory_space<vmem>>[vector<16xi32>, vector<16xi32>], vector<16xf32>,
      %add3A_409 = arith.constant 16 : i32
      %add3A_410 = vector.broadcast %add3A_409 : i32 to vector<16xi32>
      %add3A_411 = arith.addi %add3A_410, %iota3A : vector<16xi32>
      tpu.vector_store_idx %arg9[%broadcast_in_dim3A_395, %add3A_411], %gather3A_408 : memref<512x32xf32, #tpu.memory_space<vmem>>[vector<16xi32>, vector<16xi32>], vector<16xf32>,
      %slice3A_412 = vector.extract_strided_slice %get3A_97 {offsets = [10], sizes = [1], strides = [1]} : vector<16xi32> to vector<1xi32>
      %squeeze3A_413 = vector.extract %slice3A_412[0] : i32 from vector<1xi32>
      %shift_right_arithmetic3A_414 = arith.constant 14 : i32
      %shift_right_arithmetic3A_415 = arith.shrsi %squeeze3A_413, %shift_right_arithmetic3A_414 : i32
      %and3A_416 = arith.constant 3 : i32
      %and3A_417 = arith.andi %shift_right_arithmetic3A_415, %and3A_416 : i32
      %mul3A_418 = arith.constant 32 : i32
      %mul3A_419 = arith.muli %and3A_417, %mul3A_418 : i32
      %add3A_420 = arith.constant 10 : i32
      %add3A_421 = arith.addi %mul3A_94, %add3A_420 : i32
      %broadcast_in_dim3A_422 = vector.broadcast %add3A_421 : i32 to vector<16xi32>
      %add3A_423 = arith.constant 0 : i32
      %add3A_424 = arith.addi %add3A_423, %mul3A_94 : i32
      %add3A_425 = arith.constant 10 : i32
      %add3A_426 = arith.addi %add3A_424, %add3A_425 : i32
      %broadcast_in_dim3A_427 = vector.broadcast %add3A_426 : i32 to vector<16xi32>
      %add3A_428 = arith.constant 0 : i32
      %add3A_429 = arith.addi %mul3A_419, %add3A_428 : i32
      %add3A_430 = vector.broadcast %add3A_429 : i32 to vector<16xi32>
      %add3A_431 = arith.addi %add3A_430, %iota3A : vector<16xi32>
      %gather3A_432 = tpu.vector_load_idx %arg8[%broadcast_in_dim3A_422, %add3A_431] : memref<256x128xf32, #tpu.memory_space<vmem>>[vector<16xi32>, vector<16xi32>], vector<16xf32>,
      %add3A_433 = arith.constant 0 : i32
      %add3A_434 = vector.broadcast %add3A_433 : i32 to vector<16xi32>
      %add3A_435 = arith.addi %add3A_434, %iota3A : vector<16xi32>
      tpu.vector_store_idx %arg9[%broadcast_in_dim3A_427, %add3A_435], %gather3A_432 : memref<512x32xf32, #tpu.memory_space<vmem>>[vector<16xi32>, vector<16xi32>], vector<16xf32>,
      %add3A_436 = arith.constant 16 : i32
      %add3A_437 = arith.addi %mul3A_419, %add3A_436 : i32
      %add3A_438 = vector.broadcast %add3A_437 : i32 to vector<16xi32>
      %add3A_439 = arith.addi %add3A_438, %iota3A : vector<16xi32>
      %gather3A_440 = tpu.vector_load_idx %arg8[%broadcast_in_dim3A_422, %add3A_439] : memref<256x128xf32, #tpu.memory_space<vmem>>[vector<16xi32>, vector<16xi32>], vector<16xf32>,
      %add3A_441 = arith.constant 16 : i32
      %add3A_442 = vector.broadcast %add3A_441 : i32 to vector<16xi32>
      %add3A_443 = arith.addi %add3A_442, %iota3A : vector<16xi32>
      tpu.vector_store_idx %arg9[%broadcast_in_dim3A_427, %add3A_443], %gather3A_440 : memref<512x32xf32, #tpu.memory_space<vmem>>[vector<16xi32>, vector<16xi32>], vector<16xf32>,
      %slice3A_444 = vector.extract_strided_slice %get3A_97 {offsets = [11], sizes = [1], strides = [1]} : vector<16xi32> to vector<1xi32>
      %squeeze3A_445 = vector.extract %slice3A_444[0] : i32 from vector<1xi32>
      %shift_right_arithmetic3A_446 = arith.constant 14 : i32
      %shift_right_arithmetic3A_447 = arith.shrsi %squeeze3A_445, %shift_right_arithmetic3A_446 : i32
      %and3A_448 = arith.constant 3 : i32
      %and3A_449 = arith.andi %shift_right_arithmetic3A_447, %and3A_448 : i32
      %mul3A_450 = arith.constant 32 : i32
      %mul3A_451 = arith.muli %and3A_449, %mul3A_450 : i32
      %add3A_452 = arith.constant 11 : i32
      %add3A_453 = arith.addi %mul3A_94, %add3A_452 : i32
      %broadcast_in_dim3A_454 = vector.broadcast %add3A_453 : i32 to vector<16xi32>
      %add3A_455 = arith.constant 0 : i32
      %add3A_456 = arith.addi %add3A_455, %mul3A_94 : i32
      %add3A_457 = arith.constant 11 : i32
      %add3A_458 = arith.addi %add3A_456, %add3A_457 : i32
      %broadcast_in_dim3A_459 = vector.broadcast %add3A_458 : i32 to vector<16xi32>
      %add3A_460 = arith.constant 0 : i32
      %add3A_461 = arith.addi %mul3A_451, %add3A_460 : i32
      %add3A_462 = vector.broadcast %add3A_461 : i32 to vector<16xi32>
      %add3A_463 = arith.addi %add3A_462, %iota3A : vector<16xi32>
      %gather3A_464 = tpu.vector_load_idx %arg8[%broadcast_in_dim3A_454, %add3A_463] : memref<256x128xf32, #tpu.memory_space<vmem>>[vector<16xi32>, vector<16xi32>], vector<16xf32>,
      %add3A_465 = arith.constant 0 : i32
      %add3A_466 = vector.broadcast %add3A_465 : i32 to vector<16xi32>
      %add3A_467 = arith.addi %add3A_466, %iota3A : vector<16xi32>
      tpu.vector_store_idx %arg9[%broadcast_in_dim3A_459, %add3A_467], %gather3A_464 : memref<512x32xf32, #tpu.memory_space<vmem>>[vector<16xi32>, vector<16xi32>], vector<16xf32>,
      %add3A_468 = arith.constant 16 : i32
      %add3A_469 = arith.addi %mul3A_451, %add3A_468 : i32
      %add3A_470 = vector.broadcast %add3A_469 : i32 to vector<16xi32>
      %add3A_471 = arith.addi %add3A_470, %iota3A : vector<16xi32>
      %gather3A_472 = tpu.vector_load_idx %arg8[%broadcast_in_dim3A_454, %add3A_471] : memref<256x128xf32, #tpu.memory_space<vmem>>[vector<16xi32>, vector<16xi32>], vector<16xf32>,
      %add3A_473 = arith.constant 16 : i32
      %add3A_474 = vector.broadcast %add3A_473 : i32 to vector<16xi32>
      %add3A_475 = arith.addi %add3A_474, %iota3A : vector<16xi32>
      tpu.vector_store_idx %arg9[%broadcast_in_dim3A_459, %add3A_475], %gather3A_472 : memref<512x32xf32, #tpu.memory_space<vmem>>[vector<16xi32>, vector<16xi32>], vector<16xf32>,
      %slice3A_476 = vector.extract_strided_slice %get3A_97 {offsets = [12], sizes = [1], strides = [1]} : vector<16xi32> to vector<1xi32>
      %squeeze3A_477 = vector.extract %slice3A_476[0] : i32 from vector<1xi32>
      %shift_right_arithmetic3A_478 = arith.constant 14 : i32
      %shift_right_arithmetic3A_479 = arith.shrsi %squeeze3A_477, %shift_right_arithmetic3A_478 : i32
      %and3A_480 = arith.constant 3 : i32
      %and3A_481 = arith.andi %shift_right_arithmetic3A_479, %and3A_480 : i32
      %mul3A_482 = arith.constant 32 : i32
      %mul3A_483 = arith.muli %and3A_481, %mul3A_482 : i32
      %add3A_484 = arith.constant 12 : i32
      %add3A_485 = arith.addi %mul3A_94, %add3A_484 : i32
      %broadcast_in_dim3A_486 = vector.broadcast %add3A_485 : i32 to vector<16xi32>
      %add3A_487 = arith.constant 0 : i32
      %add3A_488 = arith.addi %add3A_487, %mul3A_94 : i32
      %add3A_489 = arith.constant 12 : i32
      %add3A_490 = arith.addi %add3A_488, %add3A_489 : i32
      %broadcast_in_dim3A_491 = vector.broadcast %add3A_490 : i32 to vector<16xi32>
      %add3A_492 = arith.constant 0 : i32
      %add3A_493 = arith.addi %mul3A_483, %add3A_492 : i32
      %add3A_494 = vector.broadcast %add3A_493 : i32 to vector<16xi32>
      %add3A_495 = arith.addi %add3A_494, %iota3A : vector<16xi32>
      %gather3A_496 = tpu.vector_load_idx %arg8[%broadcast_in_dim3A_486, %add3A_495] : memref<256x128xf32, #tpu.memory_space<vmem>>[vector<16xi32>, vector<16xi32>], vector<16xf32>,
      %add3A_497 = arith.constant 0 : i32
      %add3A_498 = vector.broadcast %add3A_497 : i32 to vector<16xi32>
      %add3A_499 = arith.addi %add3A_498, %iota3A : vector<16xi32>
      tpu.vector_store_idx %arg9[%broadcast_in_dim3A_491, %add3A_499], %gather3A_496 : memref<512x32xf32, #tpu.memory_space<vmem>>[vector<16xi32>, vector<16xi32>], vector<16xf32>,
      %add3A_500 = arith.constant 16 : i32
      %add3A_501 = arith.addi %mul3A_483, %add3A_500 : i32
      %add3A_502 = vector.broadcast %add3A_501 : i32 to vector<16xi32>
      %add3A_503 = arith.addi %add3A_502, %iota3A : vector<16xi32>
      %gather3A_504 = tpu.vector_load_idx %arg8[%broadcast_in_dim3A_486, %add3A_503] : memref<256x128xf32, #tpu.memory_space<vmem>>[vector<16xi32>, vector<16xi32>], vector<16xf32>,
      %add3A_505 = arith.constant 16 : i32
      %add3A_506 = vector.broadcast %add3A_505 : i32 to vector<16xi32>
      %add3A_507 = arith.addi %add3A_506, %iota3A : vector<16xi32>
      tpu.vector_store_idx %arg9[%broadcast_in_dim3A_491, %add3A_507], %gather3A_504 : memref<512x32xf32, #tpu.memory_space<vmem>>[vector<16xi32>, vector<16xi32>], vector<16xf32>,
      %slice3A_508 = vector.extract_strided_slice %get3A_97 {offsets = [13], sizes = [1], strides = [1]} : vector<16xi32> to vector<1xi32>
      %squeeze3A_509 = vector.extract %slice3A_508[0] : i32 from vector<1xi32>
      %shift_right_arithmetic3A_510 = arith.constant 14 : i32
      %shift_right_arithmetic3A_511 = arith.shrsi %squeeze3A_509, %shift_right_arithmetic3A_510 : i32
      %and3A_512 = arith.constant 3 : i32
      %and3A_513 = arith.andi %shift_right_arithmetic3A_511, %and3A_512 : i32
      %mul3A_514 = arith.constant 32 : i32
      %mul3A_515 = arith.muli %and3A_513, %mul3A_514 : i32
      %add3A_516 = arith.constant 13 : i32
      %add3A_517 = arith.addi %mul3A_94, %add3A_516 : i32
      %broadcast_in_dim3A_518 = vector.broadcast %add3A_517 : i32 to vector<16xi32>
      %add3A_519 = arith.constant 0 : i32
      %add3A_520 = arith.addi %add3A_519, %mul3A_94 : i32
      %add3A_521 = arith.constant 13 : i32
      %add3A_522 = arith.addi %add3A_520, %add3A_521 : i32
      %broadcast_in_dim3A_523 = vector.broadcast %add3A_522 : i32 to vector<16xi32>
      %add3A_524 = arith.constant 0 : i32
      %add3A_525 = arith.addi %mul3A_515, %add3A_524 : i32
      %add3A_526 = vector.broadcast %add3A_525 : i32 to vector<16xi32>
      %add3A_527 = arith.addi %add3A_526, %iota3A : vector<16xi32>
      %gather3A_528 = tpu.vector_load_idx %arg8[%broadcast_in_dim3A_518, %add3A_527] : memref<256x128xf32, #tpu.memory_space<vmem>>[vector<16xi32>, vector<16xi32>], vector<16xf32>,
      %add3A_529 = arith.constant 0 : i32
      %add3A_530 = vector.broadcast %add3A_529 : i32 to vector<16xi32>
      %add3A_531 = arith.addi %add3A_530, %iota3A : vector<16xi32>
      tpu.vector_store_idx %arg9[%broadcast_in_dim3A_523, %add3A_531], %gather3A_528 : memref<512x32xf32, #tpu.memory_space<vmem>>[vector<16xi32>, vector<16xi32>], vector<16xf32>,
      %add3A_532 = arith.constant 16 : i32
      %add3A_533 = arith.addi %mul3A_515, %add3A_532 : i32
      %add3A_534 = vector.broadcast %add3A_533 : i32 to vector<16xi32>
      %add3A_535 = arith.addi %add3A_534, %iota3A : vector<16xi32>
      %gather3A_536 = tpu.vector_load_idx %arg8[%broadcast_in_dim3A_518, %add3A_535] : memref<256x128xf32, #tpu.memory_space<vmem>>[vector<16xi32>, vector<16xi32>], vector<16xf32>,
      %add3A_537 = arith.constant 16 : i32
      %add3A_538 = vector.broadcast %add3A_537 : i32 to vector<16xi32>
      %add3A_539 = arith.addi %add3A_538, %iota3A : vector<16xi32>
      tpu.vector_store_idx %arg9[%broadcast_in_dim3A_523, %add3A_539], %gather3A_536 : memref<512x32xf32, #tpu.memory_space<vmem>>[vector<16xi32>, vector<16xi32>], vector<16xf32>,
      %slice3A_540 = vector.extract_strided_slice %get3A_97 {offsets = [14], sizes = [1], strides = [1]} : vector<16xi32> to vector<1xi32>
      %squeeze3A_541 = vector.extract %slice3A_540[0] : i32 from vector<1xi32>
      %shift_right_arithmetic3A_542 = arith.constant 14 : i32
      %shift_right_arithmetic3A_543 = arith.shrsi %squeeze3A_541, %shift_right_arithmetic3A_542 : i32
      %and3A_544 = arith.constant 3 : i32
      %and3A_545 = arith.andi %shift_right_arithmetic3A_543, %and3A_544 : i32
      %mul3A_546 = arith.constant 32 : i32
      %mul3A_547 = arith.muli %and3A_545, %mul3A_546 : i32
      %add3A_548 = arith.constant 14 : i32
      %add3A_549 = arith.addi %mul3A_94, %add3A_548 : i32
      %broadcast_in_dim3A_550 = vector.broadcast %add3A_549 : i32 to vector<16xi32>
      %add3A_551 = arith.constant 0 : i32
      %add3A_552 = arith.addi %add3A_551, %mul3A_94 : i32
      %add3A_553 = arith.constant 14 : i32
      %add3A_554 = arith.addi %add3A_552, %add3A_553 : i32
      %broadcast_in_dim3A_555 = vector.broadcast %add3A_554 : i32 to vector<16xi32>
      %add3A_556 = arith.constant 0 : i32
      %add3A_557 = arith.addi %mul3A_547, %add3A_556 : i32
      %add3A_558 = vector.broadcast %add3A_557 : i32 to vector<16xi32>
      %add3A_559 = arith.addi %add3A_558, %iota3A : vector<16xi32>
      %gather3A_560 = tpu.vector_load_idx %arg8[%broadcast_in_dim3A_550, %add3A_559] : memref<256x128xf32, #tpu.memory_space<vmem>>[vector<16xi32>, vector<16xi32>], vector<16xf32>,
      %add3A_561 = arith.constant 0 : i32
      %add3A_562 = vector.broadcast %add3A_561 : i32 to vector<16xi32>
      %add3A_563 = arith.addi %add3A_562, %iota3A : vector<16xi32>
      tpu.vector_store_idx %arg9[%broadcast_in_dim3A_555, %add3A_563], %gather3A_560 : memref<512x32xf32, #tpu.memory_space<vmem>>[vector<16xi32>, vector<16xi32>], vector<16xf32>,
      %add3A_564 = arith.constant 16 : i32
      %add3A_565 = arith.addi %mul3A_547, %add3A_564 : i32
      %add3A_566 = vector.broadcast %add3A_565 : i32 to vector<16xi32>
      %add3A_567 = arith.addi %add3A_566, %iota3A : vector<16xi32>
      %gather3A_568 = tpu.vector_load_idx %arg8[%broadcast_in_dim3A_550, %add3A_567] : memref<256x128xf32, #tpu.memory_space<vmem>>[vector<16xi32>, vector<16xi32>], vector<16xf32>,
      %add3A_569 = arith.constant 16 : i32
      %add3A_570 = vector.broadcast %add3A_569 : i32 to vector<16xi32>
      %add3A_571 = arith.addi %add3A_570, %iota3A : vector<16xi32>
      tpu.vector_store_idx %arg9[%broadcast_in_dim3A_555, %add3A_571], %gather3A_568 : memref<512x32xf32, #tpu.memory_space<vmem>>[vector<16xi32>, vector<16xi32>], vector<16xf32>,
      %slice3A_572 = vector.extract_strided_slice %get3A_97 {offsets = [15], sizes = [1], strides = [1]} : vector<16xi32> to vector<1xi32>
      %squeeze3A_573 = vector.extract %slice3A_572[0] : i32 from vector<1xi32>
      %shift_right_arithmetic3A_574 = arith.constant 14 : i32
      %shift_right_arithmetic3A_575 = arith.shrsi %squeeze3A_573, %shift_right_arithmetic3A_574 : i32
      %and3A_576 = arith.constant 3 : i32
      %and3A_577 = arith.andi %shift_right_arithmetic3A_575, %and3A_576 : i32
      %mul3A_578 = arith.constant 32 : i32
      %mul3A_579 = arith.muli %and3A_577, %mul3A_578 : i32
      %add3A_580 = arith.constant 15 : i32
      %add3A_581 = arith.addi %mul3A_94, %add3A_580 : i32
      %broadcast_in_dim3A_582 = vector.broadcast %add3A_581 : i32 to vector<16xi32>
      %add3A_583 = arith.constant 0 : i32
      %add3A_584 = arith.addi %add3A_583, %mul3A_94 : i32
      %add3A_585 = arith.constant 15 : i32
      %add3A_586 = arith.addi %add3A_584, %add3A_585 : i32
      %broadcast_in_dim3A_587 = vector.broadcast %add3A_586 : i32 to vector<16xi32>
      %add3A_588 = arith.constant 0 : i32
      %add3A_589 = arith.addi %mul3A_579, %add3A_588 : i32
      %add3A_590 = vector.broadcast %add3A_589 : i32 to vector<16xi32>
      %add3A_591 = arith.addi %add3A_590, %iota3A : vector<16xi32>
      %gather3A_592 = tpu.vector_load_idx %arg8[%broadcast_in_dim3A_582, %add3A_591] : memref<256x128xf32, #tpu.memory_space<vmem>>[vector<16xi32>, vector<16xi32>], vector<16xf32>,
      %add3A_593 = arith.constant 0 : i32
      %add3A_594 = vector.broadcast %add3A_593 : i32 to vector<16xi32>
      %add3A_595 = arith.addi %add3A_594, %iota3A : vector<16xi32>
      tpu.vector_store_idx %arg9[%broadcast_in_dim3A_587, %add3A_595], %gather3A_592 : memref<512x32xf32, #tpu.memory_space<vmem>>[vector<16xi32>, vector<16xi32>], vector<16xf32>,
      %add3A_596 = arith.constant 16 : i32
      %add3A_597 = arith.addi %mul3A_579, %add3A_596 : i32
      %add3A_598 = vector.broadcast %add3A_597 : i32 to vector<16xi32>
      %add3A_599 = arith.addi %add3A_598, %iota3A : vector<16xi32>
      %gather3A_600 = tpu.vector_load_idx %arg8[%broadcast_in_dim3A_582, %add3A_599] : memref<256x128xf32, #tpu.memory_space<vmem>>[vector<16xi32>, vector<16xi32>], vector<16xf32>,
      %add3A_601 = arith.constant 16 : i32
      %add3A_602 = vector.broadcast %add3A_601 : i32 to vector<16xi32>
      %add3A_603 = arith.addi %add3A_602, %iota3A : vector<16xi32>
      tpu.vector_store_idx %arg9[%broadcast_in_dim3A_587, %add3A_603], %gather3A_600 : memref<512x32xf32, #tpu.memory_space<vmem>>[vector<16xi32>, vector<16xi32>], vector<16xf32>,
    }
    %scan3A_45 = arith.constant 16 : i32
    %dma_start3A_46 = arith.constant 2 : i32
    %dma_start3A_47 = arith.constant 0 : i32
    %dma_start3A_48 = arith.constant 0 : i32
    %dma_start3A_49 = tpu.memref_slice %arg8[%dma_start3A_47, %dma_start3A_48] : memref<256x128xf32, #tpu.memory_space<vmem>> -> memref<128x128xf32, #tpu.memory_space<vmem>>
    %dma_start3A_50 = arith.constant 0 : i32
    %dma_start3A_51 = tpu.memref_slice %arg6[%dma_start3A_46, %dma_start3A_50] : memref<4x128xi32, #tpu.memory_space<vmem>> -> memref<1x128xi32, #tpu.memory_space<vmem>>
    %dma_start3A_52 = tpu.memref_squeeze %dma_start3A_51 : memref<1x128xi32, #tpu.memory_space<vmem>> -> memref<128xi32, #tpu.memory_space<vmem>>
    %dma_start3A_53 = arith.constant 0 : i32
    %dma_start3A_54 = arith.constant 0 : i32
    %dma_start3A_55 = tpu.memref_slice %arg2[%dma_start3A_53, %dma_start3A_54] : memref<262144x128xf32, #tpu.memory_space<hbm>> -> memref<262144x128xf32, #tpu.memory_space<hbm>>
    tpu.enqueue_indirect_dma source(%dma_start3A_55 : memref<262144x128xf32, #tpu.memory_space<hbm>>) target(%dma_start3A_49 : memref<128x128xf32, #tpu.memory_space<vmem>>) offsets(%dma_start3A_52 : memref<128xi32, #tpu.memory_space<vmem>>) semaphore(%arg10 : memref<!tpu.dma_semaphore, #tpu.memory_space<semaphore_mem>>)
    %dma_start3A_56 = arith.constant 3 : i32
    %dma_start3A_57 = arith.constant 128 : i32
    %dma_start3A_58 = arith.constant 0 : i32
    %dma_start3A_59 = tpu.memref_slice %arg8[%dma_start3A_57, %dma_start3A_58] : memref<256x128xf32, #tpu.memory_space<vmem>> -> memref<128x128xf32, #tpu.memory_space<vmem>>
    %dma_start3A_60 = arith.constant 0 : i32
    %dma_start3A_61 = tpu.memref_slice %arg6[%dma_start3A_56, %dma_start3A_60] : memref<4x128xi32, #tpu.memory_space<vmem>> -> memref<1x128xi32, #tpu.memory_space<vmem>>
    %dma_start3A_62 = tpu.memref_squeeze %dma_start3A_61 : memref<1x128xi32, #tpu.memory_space<vmem>> -> memref<128xi32, #tpu.memory_space<vmem>>
    %dma_start3A_63 = arith.constant 0 : i32
    %dma_start3A_64 = arith.constant 0 : i32
    %dma_start3A_65 = tpu.memref_slice %arg2[%dma_start3A_63, %dma_start3A_64] : memref<262144x128xf32, #tpu.memory_space<hbm>> -> memref<262144x128xf32, #tpu.memory_space<hbm>>
    tpu.enqueue_indirect_dma source(%dma_start3A_65 : memref<262144x128xf32, #tpu.memory_space<hbm>>) target(%dma_start3A_59 : memref<128x128xf32, #tpu.memory_space<vmem>>) offsets(%dma_start3A_62 : memref<128xi32, #tpu.memory_space<vmem>>) semaphore(%arg10 : memref<!tpu.dma_semaphore, #tpu.memory_space<semaphore_mem>>)
    %dma_wait3A_66 = arith.constant 2 : i32
    %dma_wait3A_67 = arith.constant 0 : i32
    %dma_wait3A_68 = arith.constant 0 : i32
    %dma_wait3A_69 = tpu.memref_slice %arg8[%dma_wait3A_67, %dma_wait3A_68] : memref<256x128xf32, #tpu.memory_space<vmem>> -> memref<128x128xf32, #tpu.memory_space<vmem>>
    %dma_wait3A_70 = arith.constant 0 : i32
    %dma_wait3A_71 = tpu.memref_slice %arg6[%dma_wait3A_66, %dma_wait3A_70] : memref<4x128xi32, #tpu.memory_space<vmem>> -> memref<1x128xi32, #tpu.memory_space<vmem>>
    %dma_wait3A_72 = tpu.memref_squeeze %dma_wait3A_71 : memref<1x128xi32, #tpu.memory_space<vmem>> -> memref<128xi32, #tpu.memory_space<vmem>>
    %dma_wait3A_73 = arith.constant 0 : i32
    %dma_wait3A_74 = arith.constant 0 : i32
    %dma_wait3A_75 = tpu.memref_slice %arg2[%dma_wait3A_73, %dma_wait3A_74] : memref<262144x128xf32, #tpu.memory_space<hbm>> -> memref<262144x128xf32, #tpu.memory_space<hbm>>
    tpu.wait_indirect_dma semaphore(%arg10 : memref<!tpu.dma_semaphore, #tpu.memory_space<semaphore_mem>>) src(%dma_wait3A_75 : memref<262144x128xf32, #tpu.memory_space<hbm>>) dst(%dma_wait3A_69 : memref<128x128xf32, #tpu.memory_space<vmem>>)
    %dma_wait3A_76 = arith.constant 3 : i32
    %dma_wait3A_77 = arith.constant 128 : i32
    %dma_wait3A_78 = arith.constant 0 : i32
    %dma_wait3A_79 = tpu.memref_slice %arg8[%dma_wait3A_77, %dma_wait3A_78] : memref<256x128xf32, #tpu.memory_space<vmem>> -> memref<128x128xf32, #tpu.memory_space<vmem>>
    %dma_wait3A_80 = arith.constant 0 : i32
    %dma_wait3A_81 = tpu.memref_slice %arg6[%dma_wait3A_76, %dma_wait3A_80] : memref<4x128xi32, #tpu.memory_space<vmem>> -> memref<1x128xi32, #tpu.memory_space<vmem>>
    %dma_wait3A_82 = tpu.memref_squeeze %dma_wait3A_81 : memref<1x128xi32, #tpu.memory_space<vmem>> -> memref<128xi32, #tpu.memory_space<vmem>>
    %dma_wait3A_83 = arith.constant 0 : i32
    %dma_wait3A_84 = arith.constant 0 : i32
    %dma_wait3A_85 = tpu.memref_slice %arg2[%dma_wait3A_83, %dma_wait3A_84] : memref<262144x128xf32, #tpu.memory_space<hbm>> -> memref<262144x128xf32, #tpu.memory_space<hbm>>
    tpu.wait_indirect_dma semaphore(%arg10 : memref<!tpu.dma_semaphore, #tpu.memory_space<semaphore_mem>>) src(%dma_wait3A_85 : memref<262144x128xf32, #tpu.memory_space<hbm>>) dst(%dma_wait3A_79 : memref<128x128xf32, #tpu.memory_space<vmem>>)
    %scan3A_86 = arith.constant 0 : i32
    %scan3A_87 = arith.constant 0 : i32
    %scan3A_88 = arith.constant 16 : i32
    %scan3A_89 = arith.addi %scan3A_87, %scan3A_88 : i32
    %scan3A_90 = arith.constant 1 : i32
    scf.for %scan3A_92 = %scan3A_87 to %scan3A_89 step %scan3A_90  : i32 {
      %mul3A_93 = arith.constant 16 : i32
      %mul3A_94 = arith.muli %scan3A_92, %mul3A_93 : i32
      %add3A_95 = arith.constant 256 : i32
      %add3A_96 = arith.addi %add3A_95, %mul3A_94 : i32
      %get3A = arith.index_cast %add3A_96 : i32 to index
      %get3A_97 = tpu.vector_load %arg7[%get3A] {strides = array<i32>} : memref<512xi32, #tpu.memory_space<vmem>>, vector<16xi32>,
      %slice3A = vector.extract_strided_slice %get3A_97 {offsets = [0], sizes = [1], strides = [1]} : vector<16xi32> to vector<1xi32>
      %squeeze3A = vector.extract %slice3A[0] : i32 from vector<1xi32>
      %shift_right_arithmetic3A = arith.constant 14 : i32
      %shift_right_arithmetic3A_98 = arith.shrsi %squeeze3A, %shift_right_arithmetic3A : i32
      %and3A = arith.constant 3 : i32
      %and3A_99 = arith.andi %shift_right_arithmetic3A_98, %and3A : i32
      %mul3A_100 = arith.constant 32 : i32
      %mul3A_101 = arith.muli %and3A_99, %mul3A_100 : i32
      %add3A_102 = arith.constant 0 : i32
      %add3A_103 = arith.addi %mul3A_94, %add3A_102 : i32
      %broadcast_in_dim3A = vector.broadcast %add3A_103 : i32 to vector<16xi32>
      %add3A_104 = arith.constant 256 : i32
      %add3A_105 = arith.addi %add3A_104, %mul3A_94 : i32
      %add3A_106 = arith.constant 0 : i32
      %add3A_107 = arith.addi %add3A_105, %add3A_106 : i32
      %broadcast_in_dim3A_108 = vector.broadcast %add3A_107 : i32 to vector<16xi32>
      %add3A_109 = arith.constant 0 : i32
      %add3A_110 = arith.addi %mul3A_101, %add3A_109 : i32
      %add3A_111 = vector.broadcast %add3A_110 : i32 to vector<16xi32>
      %add3A_112 = arith.addi %add3A_111, %iota3A : vector<16xi32>
      %gather3A = tpu.vector_load_idx %arg8[%broadcast_in_dim3A, %add3A_112] : memref<256x128xf32, #tpu.memory_space<vmem>>[vector<16xi32>, vector<16xi32>], vector<16xf32>,
      %add3A_113 = arith.constant 0 : i32
      %add3A_114 = vector.broadcast %add3A_113 : i32 to vector<16xi32>
      %add3A_115 = arith.addi %add3A_114, %iota3A : vector<16xi32>
      tpu.vector_store_idx %arg9[%broadcast_in_dim3A_108, %add3A_115], %gather3A : memref<512x32xf32, #tpu.memory_space<vmem>>[vector<16xi32>, vector<16xi32>], vector<16xf32>,
      %add3A_116 = arith.constant 16 : i32
      %add3A_117 = arith.addi %mul3A_101, %add3A_116 : i32
      %add3A_118 = vector.broadcast %add3A_117 : i32 to vector<16xi32>
      %add3A_119 = arith.addi %add3A_118, %iota3A : vector<16xi32>
      %gather3A_120 = tpu.vector_load_idx %arg8[%broadcast_in_dim3A, %add3A_119] : memref<256x128xf32, #tpu.memory_space<vmem>>[vector<16xi32>, vector<16xi32>], vector<16xf32>,
      %add3A_121 = arith.constant 16 : i32
      %add3A_122 = vector.broadcast %add3A_121 : i32 to vector<16xi32>
      %add3A_123 = arith.addi %add3A_122, %iota3A : vector<16xi32>
      tpu.vector_store_idx %arg9[%broadcast_in_dim3A_108, %add3A_123], %gather3A_120 : memref<512x32xf32, #tpu.memory_space<vmem>>[vector<16xi32>, vector<16xi32>], vector<16xf32>,
      %slice3A_124 = vector.extract_strided_slice %get3A_97 {offsets = [1], sizes = [1], strides = [1]} : vector<16xi32> to vector<1xi32>
      %squeeze3A_125 = vector.extract %slice3A_124[0] : i32 from vector<1xi32>
      %shift_right_arithmetic3A_126 = arith.constant 14 : i32
      %shift_right_arithmetic3A_127 = arith.shrsi %squeeze3A_125, %shift_right_arithmetic3A_126 : i32
      %and3A_128 = arith.constant 3 : i32
      %and3A_129 = arith.andi %shift_right_arithmetic3A_127, %and3A_128 : i32
      %mul3A_130 = arith.constant 32 : i32
      %mul3A_131 = arith.muli %and3A_129, %mul3A_130 : i32
      %add3A_132 = arith.constant 1 : i32
      %add3A_133 = arith.addi %mul3A_94, %add3A_132 : i32
      %broadcast_in_dim3A_134 = vector.broadcast %add3A_133 : i32 to vector<16xi32>
      %add3A_135 = arith.constant 256 : i32
      %add3A_136 = arith.addi %add3A_135, %mul3A_94 : i32
      %add3A_137 = arith.constant 1 : i32
      %add3A_138 = arith.addi %add3A_136, %add3A_137 : i32
      %broadcast_in_dim3A_139 = vector.broadcast %add3A_138 : i32 to vector<16xi32>
      %add3A_140 = arith.constant 0 : i32
      %add3A_141 = arith.addi %mul3A_131, %add3A_140 : i32
      %add3A_142 = vector.broadcast %add3A_141 : i32 to vector<16xi32>
      %add3A_143 = arith.addi %add3A_142, %iota3A : vector<16xi32>
      %gather3A_144 = tpu.vector_load_idx %arg8[%broadcast_in_dim3A_134, %add3A_143] : memref<256x128xf32, #tpu.memory_space<vmem>>[vector<16xi32>, vector<16xi32>], vector<16xf32>,
      %add3A_145 = arith.constant 0 : i32
      %add3A_146 = vector.broadcast %add3A_145 : i32 to vector<16xi32>
      %add3A_147 = arith.addi %add3A_146, %iota3A : vector<16xi32>
      tpu.vector_store_idx %arg9[%broadcast_in_dim3A_139, %add3A_147], %gather3A_144 : memref<512x32xf32, #tpu.memory_space<vmem>>[vector<16xi32>, vector<16xi32>], vector<16xf32>,
      %add3A_148 = arith.constant 16 : i32
      %add3A_149 = arith.addi %mul3A_131, %add3A_148 : i32
      %add3A_150 = vector.broadcast %add3A_149 : i32 to vector<16xi32>
      %add3A_151 = arith.addi %add3A_150, %iota3A : vector<16xi32>
      %gather3A_152 = tpu.vector_load_idx %arg8[%broadcast_in_dim3A_134, %add3A_151] : memref<256x128xf32, #tpu.memory_space<vmem>>[vector<16xi32>, vector<16xi32>], vector<16xf32>,
      %add3A_153 = arith.constant 16 : i32
      %add3A_154 = vector.broadcast %add3A_153 : i32 to vector<16xi32>
      %add3A_155 = arith.addi %add3A_154, %iota3A : vector<16xi32>
      tpu.vector_store_idx %arg9[%broadcast_in_dim3A_139, %add3A_155], %gather3A_152 : memref<512x32xf32, #tpu.memory_space<vmem>>[vector<16xi32>, vector<16xi32>], vector<16xf32>,
      %slice3A_156 = vector.extract_strided_slice %get3A_97 {offsets = [2], sizes = [1], strides = [1]} : vector<16xi32> to vector<1xi32>
      %squeeze3A_157 = vector.extract %slice3A_156[0] : i32 from vector<1xi32>
      %shift_right_arithmetic3A_158 = arith.constant 14 : i32
      %shift_right_arithmetic3A_159 = arith.shrsi %squeeze3A_157, %shift_right_arithmetic3A_158 : i32
      %and3A_160 = arith.constant 3 : i32
      %and3A_161 = arith.andi %shift_right_arithmetic3A_159, %and3A_160 : i32
      %mul3A_162 = arith.constant 32 : i32
      %mul3A_163 = arith.muli %and3A_161, %mul3A_162 : i32
      %add3A_164 = arith.constant 2 : i32
      %add3A_165 = arith.addi %mul3A_94, %add3A_164 : i32
      %broadcast_in_dim3A_166 = vector.broadcast %add3A_165 : i32 to vector<16xi32>
      %add3A_167 = arith.constant 256 : i32
      %add3A_168 = arith.addi %add3A_167, %mul3A_94 : i32
      %add3A_169 = arith.constant 2 : i32
      %add3A_170 = arith.addi %add3A_168, %add3A_169 : i32
      %broadcast_in_dim3A_171 = vector.broadcast %add3A_170 : i32 to vector<16xi32>
      %add3A_172 = arith.constant 0 : i32
      %add3A_173 = arith.addi %mul3A_163, %add3A_172 : i32
      %add3A_174 = vector.broadcast %add3A_173 : i32 to vector<16xi32>
      %add3A_175 = arith.addi %add3A_174, %iota3A : vector<16xi32>
      %gather3A_176 = tpu.vector_load_idx %arg8[%broadcast_in_dim3A_166, %add3A_175] : memref<256x128xf32, #tpu.memory_space<vmem>>[vector<16xi32>, vector<16xi32>], vector<16xf32>,
      %add3A_177 = arith.constant 0 : i32
      %add3A_178 = vector.broadcast %add3A_177 : i32 to vector<16xi32>
      %add3A_179 = arith.addi %add3A_178, %iota3A : vector<16xi32>
      tpu.vector_store_idx %arg9[%broadcast_in_dim3A_171, %add3A_179], %gather3A_176 : memref<512x32xf32, #tpu.memory_space<vmem>>[vector<16xi32>, vector<16xi32>], vector<16xf32>,
      %add3A_180 = arith.constant 16 : i32
      %add3A_181 = arith.addi %mul3A_163, %add3A_180 : i32
      %add3A_182 = vector.broadcast %add3A_181 : i32 to vector<16xi32>
      %add3A_183 = arith.addi %add3A_182, %iota3A : vector<16xi32>
      %gather3A_184 = tpu.vector_load_idx %arg8[%broadcast_in_dim3A_166, %add3A_183] : memref<256x128xf32, #tpu.memory_space<vmem>>[vector<16xi32>, vector<16xi32>], vector<16xf32>,
      %add3A_185 = arith.constant 16 : i32
      %add3A_186 = vector.broadcast %add3A_185 : i32 to vector<16xi32>
      %add3A_187 = arith.addi %add3A_186, %iota3A : vector<16xi32>
      tpu.vector_store_idx %arg9[%broadcast_in_dim3A_171, %add3A_187], %gather3A_184 : memref<512x32xf32, #tpu.memory_space<vmem>>[vector<16xi32>, vector<16xi32>], vector<16xf32>,
      %slice3A_188 = vector.extract_strided_slice %get3A_97 {offsets = [3], sizes = [1], strides = [1]} : vector<16xi32> to vector<1xi32>
      %squeeze3A_189 = vector.extract %slice3A_188[0] : i32 from vector<1xi32>
      %shift_right_arithmetic3A_190 = arith.constant 14 : i32
      %shift_right_arithmetic3A_191 = arith.shrsi %squeeze3A_189, %shift_right_arithmetic3A_190 : i32
      %and3A_192 = arith.constant 3 : i32
      %and3A_193 = arith.andi %shift_right_arithmetic3A_191, %and3A_192 : i32
      %mul3A_194 = arith.constant 32 : i32
      %mul3A_195 = arith.muli %and3A_193, %mul3A_194 : i32
      %add3A_196 = arith.constant 3 : i32
      %add3A_197 = arith.addi %mul3A_94, %add3A_196 : i32
      %broadcast_in_dim3A_198 = vector.broadcast %add3A_197 : i32 to vector<16xi32>
      %add3A_199 = arith.constant 256 : i32
      %add3A_200 = arith.addi %add3A_199, %mul3A_94 : i32
      %add3A_201 = arith.constant 3 : i32
      %add3A_202 = arith.addi %add3A_200, %add3A_201 : i32
      %broadcast_in_dim3A_203 = vector.broadcast %add3A_202 : i32 to vector<16xi32>
      %add3A_204 = arith.constant 0 : i32
      %add3A_205 = arith.addi %mul3A_195, %add3A_204 : i32
      %add3A_206 = vector.broadcast %add3A_205 : i32 to vector<16xi32>
      %add3A_207 = arith.addi %add3A_206, %iota3A : vector<16xi32>
      %gather3A_208 = tpu.vector_load_idx %arg8[%broadcast_in_dim3A_198, %add3A_207] : memref<256x128xf32, #tpu.memory_space<vmem>>[vector<16xi32>, vector<16xi32>], vector<16xf32>,
      %add3A_209 = arith.constant 0 : i32
      %add3A_210 = vector.broadcast %add3A_209 : i32 to vector<16xi32>
      %add3A_211 = arith.addi %add3A_210, %iota3A : vector<16xi32>
      tpu.vector_store_idx %arg9[%broadcast_in_dim3A_203, %add3A_211], %gather3A_208 : memref<512x32xf32, #tpu.memory_space<vmem>>[vector<16xi32>, vector<16xi32>], vector<16xf32>,
      %add3A_212 = arith.constant 16 : i32
      %add3A_213 = arith.addi %mul3A_195, %add3A_212 : i32
      %add3A_214 = vector.broadcast %add3A_213 : i32 to vector<16xi32>
      %add3A_215 = arith.addi %add3A_214, %iota3A : vector<16xi32>
      %gather3A_216 = tpu.vector_load_idx %arg8[%broadcast_in_dim3A_198, %add3A_215] : memref<256x128xf32, #tpu.memory_space<vmem>>[vector<16xi32>, vector<16xi32>], vector<16xf32>,
      %add3A_217 = arith.constant 16 : i32
      %add3A_218 = vector.broadcast %add3A_217 : i32 to vector<16xi32>
      %add3A_219 = arith.addi %add3A_218, %iota3A : vector<16xi32>
      tpu.vector_store_idx %arg9[%broadcast_in_dim3A_203, %add3A_219], %gather3A_216 : memref<512x32xf32, #tpu.memory_space<vmem>>[vector<16xi32>, vector<16xi32>], vector<16xf32>,
      %slice3A_220 = vector.extract_strided_slice %get3A_97 {offsets = [4], sizes = [1], strides = [1]} : vector<16xi32> to vector<1xi32>
      %squeeze3A_221 = vector.extract %slice3A_220[0] : i32 from vector<1xi32>
      %shift_right_arithmetic3A_222 = arith.constant 14 : i32
      %shift_right_arithmetic3A_223 = arith.shrsi %squeeze3A_221, %shift_right_arithmetic3A_222 : i32
      %and3A_224 = arith.constant 3 : i32
      %and3A_225 = arith.andi %shift_right_arithmetic3A_223, %and3A_224 : i32
      %mul3A_226 = arith.constant 32 : i32
      %mul3A_227 = arith.muli %and3A_225, %mul3A_226 : i32
      %add3A_228 = arith.constant 4 : i32
      %add3A_229 = arith.addi %mul3A_94, %add3A_228 : i32
      %broadcast_in_dim3A_230 = vector.broadcast %add3A_229 : i32 to vector<16xi32>
      %add3A_231 = arith.constant 256 : i32
      %add3A_232 = arith.addi %add3A_231, %mul3A_94 : i32
      %add3A_233 = arith.constant 4 : i32
      %add3A_234 = arith.addi %add3A_232, %add3A_233 : i32
      %broadcast_in_dim3A_235 = vector.broadcast %add3A_234 : i32 to vector<16xi32>
      %add3A_236 = arith.constant 0 : i32
      %add3A_237 = arith.addi %mul3A_227, %add3A_236 : i32
      %add3A_238 = vector.broadcast %add3A_237 : i32 to vector<16xi32>
      %add3A_239 = arith.addi %add3A_238, %iota3A : vector<16xi32>
      %gather3A_240 = tpu.vector_load_idx %arg8[%broadcast_in_dim3A_230, %add3A_239] : memref<256x128xf32, #tpu.memory_space<vmem>>[vector<16xi32>, vector<16xi32>], vector<16xf32>,
      %add3A_241 = arith.constant 0 : i32
      %add3A_242 = vector.broadcast %add3A_241 : i32 to vector<16xi32>
      %add3A_243 = arith.addi %add3A_242, %iota3A : vector<16xi32>
      tpu.vector_store_idx %arg9[%broadcast_in_dim3A_235, %add3A_243], %gather3A_240 : memref<512x32xf32, #tpu.memory_space<vmem>>[vector<16xi32>, vector<16xi32>], vector<16xf32>,
      %add3A_244 = arith.constant 16 : i32
      %add3A_245 = arith.addi %mul3A_227, %add3A_244 : i32
      %add3A_246 = vector.broadcast %add3A_245 : i32 to vector<16xi32>
      %add3A_247 = arith.addi %add3A_246, %iota3A : vector<16xi32>
      %gather3A_248 = tpu.vector_load_idx %arg8[%broadcast_in_dim3A_230, %add3A_247] : memref<256x128xf32, #tpu.memory_space<vmem>>[vector<16xi32>, vector<16xi32>], vector<16xf32>,
      %add3A_249 = arith.constant 16 : i32
      %add3A_250 = vector.broadcast %add3A_249 : i32 to vector<16xi32>
      %add3A_251 = arith.addi %add3A_250, %iota3A : vector<16xi32>
      tpu.vector_store_idx %arg9[%broadcast_in_dim3A_235, %add3A_251], %gather3A_248 : memref<512x32xf32, #tpu.memory_space<vmem>>[vector<16xi32>, vector<16xi32>], vector<16xf32>,
      %slice3A_252 = vector.extract_strided_slice %get3A_97 {offsets = [5], sizes = [1], strides = [1]} : vector<16xi32> to vector<1xi32>
      %squeeze3A_253 = vector.extract %slice3A_252[0] : i32 from vector<1xi32>
      %shift_right_arithmetic3A_254 = arith.constant 14 : i32
      %shift_right_arithmetic3A_255 = arith.shrsi %squeeze3A_253, %shift_right_arithmetic3A_254 : i32
      %and3A_256 = arith.constant 3 : i32
      %and3A_257 = arith.andi %shift_right_arithmetic3A_255, %and3A_256 : i32
      %mul3A_258 = arith.constant 32 : i32
      %mul3A_259 = arith.muli %and3A_257, %mul3A_258 : i32
      %add3A_260 = arith.constant 5 : i32
      %add3A_261 = arith.addi %mul3A_94, %add3A_260 : i32
      %broadcast_in_dim3A_262 = vector.broadcast %add3A_261 : i32 to vector<16xi32>
      %add3A_263 = arith.constant 256 : i32
      %add3A_264 = arith.addi %add3A_263, %mul3A_94 : i32
      %add3A_265 = arith.constant 5 : i32
      %add3A_266 = arith.addi %add3A_264, %add3A_265 : i32
      %broadcast_in_dim3A_267 = vector.broadcast %add3A_266 : i32 to vector<16xi32>
      %add3A_268 = arith.constant 0 : i32
      %add3A_269 = arith.addi %mul3A_259, %add3A_268 : i32
      %add3A_270 = vector.broadcast %add3A_269 : i32 to vector<16xi32>
      %add3A_271 = arith.addi %add3A_270, %iota3A : vector<16xi32>
      %gather3A_272 = tpu.vector_load_idx %arg8[%broadcast_in_dim3A_262, %add3A_271] : memref<256x128xf32, #tpu.memory_space<vmem>>[vector<16xi32>, vector<16xi32>], vector<16xf32>,
      %add3A_273 = arith.constant 0 : i32
      %add3A_274 = vector.broadcast %add3A_273 : i32 to vector<16xi32>
      %add3A_275 = arith.addi %add3A_274, %iota3A : vector<16xi32>
      tpu.vector_store_idx %arg9[%broadcast_in_dim3A_267, %add3A_275], %gather3A_272 : memref<512x32xf32, #tpu.memory_space<vmem>>[vector<16xi32>, vector<16xi32>], vector<16xf32>,
      %add3A_276 = arith.constant 16 : i32
      %add3A_277 = arith.addi %mul3A_259, %add3A_276 : i32
      %add3A_278 = vector.broadcast %add3A_277 : i32 to vector<16xi32>
      %add3A_279 = arith.addi %add3A_278, %iota3A : vector<16xi32>
      %gather3A_280 = tpu.vector_load_idx %arg8[%broadcast_in_dim3A_262, %add3A_279] : memref<256x128xf32, #tpu.memory_space<vmem>>[vector<16xi32>, vector<16xi32>], vector<16xf32>,
      %add3A_281 = arith.constant 16 : i32
      %add3A_282 = vector.broadcast %add3A_281 : i32 to vector<16xi32>
      %add3A_283 = arith.addi %add3A_282, %iota3A : vector<16xi32>
      tpu.vector_store_idx %arg9[%broadcast_in_dim3A_267, %add3A_283], %gather3A_280 : memref<512x32xf32, #tpu.memory_space<vmem>>[vector<16xi32>, vector<16xi32>], vector<16xf32>,
      %slice3A_284 = vector.extract_strided_slice %get3A_97 {offsets = [6], sizes = [1], strides = [1]} : vector<16xi32> to vector<1xi32>
      %squeeze3A_285 = vector.extract %slice3A_284[0] : i32 from vector<1xi32>
      %shift_right_arithmetic3A_286 = arith.constant 14 : i32
      %shift_right_arithmetic3A_287 = arith.shrsi %squeeze3A_285, %shift_right_arithmetic3A_286 : i32
      %and3A_288 = arith.constant 3 : i32
      %and3A_289 = arith.andi %shift_right_arithmetic3A_287, %and3A_288 : i32
      %mul3A_290 = arith.constant 32 : i32
      %mul3A_291 = arith.muli %and3A_289, %mul3A_290 : i32
      %add3A_292 = arith.constant 6 : i32
      %add3A_293 = arith.addi %mul3A_94, %add3A_292 : i32
      %broadcast_in_dim3A_294 = vector.broadcast %add3A_293 : i32 to vector<16xi32>
      %add3A_295 = arith.constant 256 : i32
      %add3A_296 = arith.addi %add3A_295, %mul3A_94 : i32
      %add3A_297 = arith.constant 6 : i32
      %add3A_298 = arith.addi %add3A_296, %add3A_297 : i32
      %broadcast_in_dim3A_299 = vector.broadcast %add3A_298 : i32 to vector<16xi32>
      %add3A_300 = arith.constant 0 : i32
      %add3A_301 = arith.addi %mul3A_291, %add3A_300 : i32
      %add3A_302 = vector.broadcast %add3A_301 : i32 to vector<16xi32>
      %add3A_303 = arith.addi %add3A_302, %iota3A : vector<16xi32>
      %gather3A_304 = tpu.vector_load_idx %arg8[%broadcast_in_dim3A_294, %add3A_303] : memref<256x128xf32, #tpu.memory_space<vmem>>[vector<16xi32>, vector<16xi32>], vector<16xf32>,
      %add3A_305 = arith.constant 0 : i32
      %add3A_306 = vector.broadcast %add3A_305 : i32 to vector<16xi32>
      %add3A_307 = arith.addi %add3A_306, %iota3A : vector<16xi32>
      tpu.vector_store_idx %arg9[%broadcast_in_dim3A_299, %add3A_307], %gather3A_304 : memref<512x32xf32, #tpu.memory_space<vmem>>[vector<16xi32>, vector<16xi32>], vector<16xf32>,
      %add3A_308 = arith.constant 16 : i32
      %add3A_309 = arith.addi %mul3A_291, %add3A_308 : i32
      %add3A_310 = vector.broadcast %add3A_309 : i32 to vector<16xi32>
      %add3A_311 = arith.addi %add3A_310, %iota3A : vector<16xi32>
      %gather3A_312 = tpu.vector_load_idx %arg8[%broadcast_in_dim3A_294, %add3A_311] : memref<256x128xf32, #tpu.memory_space<vmem>>[vector<16xi32>, vector<16xi32>], vector<16xf32>,
      %add3A_313 = arith.constant 16 : i32
      %add3A_314 = vector.broadcast %add3A_313 : i32 to vector<16xi32>
      %add3A_315 = arith.addi %add3A_314, %iota3A : vector<16xi32>
      tpu.vector_store_idx %arg9[%broadcast_in_dim3A_299, %add3A_315], %gather3A_312 : memref<512x32xf32, #tpu.memory_space<vmem>>[vector<16xi32>, vector<16xi32>], vector<16xf32>,
      %slice3A_316 = vector.extract_strided_slice %get3A_97 {offsets = [7], sizes = [1], strides = [1]} : vector<16xi32> to vector<1xi32>
      %squeeze3A_317 = vector.extract %slice3A_316[0] : i32 from vector<1xi32>
      %shift_right_arithmetic3A_318 = arith.constant 14 : i32
      %shift_right_arithmetic3A_319 = arith.shrsi %squeeze3A_317, %shift_right_arithmetic3A_318 : i32
      %and3A_320 = arith.constant 3 : i32
      %and3A_321 = arith.andi %shift_right_arithmetic3A_319, %and3A_320 : i32
      %mul3A_322 = arith.constant 32 : i32
      %mul3A_323 = arith.muli %and3A_321, %mul3A_322 : i32
      %add3A_324 = arith.constant 7 : i32
      %add3A_325 = arith.addi %mul3A_94, %add3A_324 : i32
      %broadcast_in_dim3A_326 = vector.broadcast %add3A_325 : i32 to vector<16xi32>
      %add3A_327 = arith.constant 256 : i32
      %add3A_328 = arith.addi %add3A_327, %mul3A_94 : i32
      %add3A_329 = arith.constant 7 : i32
      %add3A_330 = arith.addi %add3A_328, %add3A_329 : i32
      %broadcast_in_dim3A_331 = vector.broadcast %add3A_330 : i32 to vector<16xi32>
      %add3A_332 = arith.constant 0 : i32
      %add3A_333 = arith.addi %mul3A_323, %add3A_332 : i32
      %add3A_334 = vector.broadcast %add3A_333 : i32 to vector<16xi32>
      %add3A_335 = arith.addi %add3A_334, %iota3A : vector<16xi32>
      %gather3A_336 = tpu.vector_load_idx %arg8[%broadcast_in_dim3A_326, %add3A_335] : memref<256x128xf32, #tpu.memory_space<vmem>>[vector<16xi32>, vector<16xi32>], vector<16xf32>,
      %add3A_337 = arith.constant 0 : i32
      %add3A_338 = vector.broadcast %add3A_337 : i32 to vector<16xi32>
      %add3A_339 = arith.addi %add3A_338, %iota3A : vector<16xi32>
      tpu.vector_store_idx %arg9[%broadcast_in_dim3A_331, %add3A_339], %gather3A_336 : memref<512x32xf32, #tpu.memory_space<vmem>>[vector<16xi32>, vector<16xi32>], vector<16xf32>,
      %add3A_340 = arith.constant 16 : i32
      %add3A_341 = arith.addi %mul3A_323, %add3A_340 : i32
      %add3A_342 = vector.broadcast %add3A_341 : i32 to vector<16xi32>
      %add3A_343 = arith.addi %add3A_342, %iota3A : vector<16xi32>
      %gather3A_344 = tpu.vector_load_idx %arg8[%broadcast_in_dim3A_326, %add3A_343] : memref<256x128xf32, #tpu.memory_space<vmem>>[vector<16xi32>, vector<16xi32>], vector<16xf32>,
      %add3A_345 = arith.constant 16 : i32
      %add3A_346 = vector.broadcast %add3A_345 : i32 to vector<16xi32>
      %add3A_347 = arith.addi %add3A_346, %iota3A : vector<16xi32>
      tpu.vector_store_idx %arg9[%broadcast_in_dim3A_331, %add3A_347], %gather3A_344 : memref<512x32xf32, #tpu.memory_space<vmem>>[vector<16xi32>, vector<16xi32>], vector<16xf32>,
      %slice3A_348 = vector.extract_strided_slice %get3A_97 {offsets = [8], sizes = [1], strides = [1]} : vector<16xi32> to vector<1xi32>
      %squeeze3A_349 = vector.extract %slice3A_348[0] : i32 from vector<1xi32>
      %shift_right_arithmetic3A_350 = arith.constant 14 : i32
      %shift_right_arithmetic3A_351 = arith.shrsi %squeeze3A_349, %shift_right_arithmetic3A_350 : i32
      %and3A_352 = arith.constant 3 : i32
      %and3A_353 = arith.andi %shift_right_arithmetic3A_351, %and3A_352 : i32
      %mul3A_354 = arith.constant 32 : i32
      %mul3A_355 = arith.muli %and3A_353, %mul3A_354 : i32
      %add3A_356 = arith.constant 8 : i32
      %add3A_357 = arith.addi %mul3A_94, %add3A_356 : i32
      %broadcast_in_dim3A_358 = vector.broadcast %add3A_357 : i32 to vector<16xi32>
      %add3A_359 = arith.constant 256 : i32
      %add3A_360 = arith.addi %add3A_359, %mul3A_94 : i32
      %add3A_361 = arith.constant 8 : i32
      %add3A_362 = arith.addi %add3A_360, %add3A_361 : i32
      %broadcast_in_dim3A_363 = vector.broadcast %add3A_362 : i32 to vector<16xi32>
      %add3A_364 = arith.constant 0 : i32
      %add3A_365 = arith.addi %mul3A_355, %add3A_364 : i32
      %add3A_366 = vector.broadcast %add3A_365 : i32 to vector<16xi32>
      %add3A_367 = arith.addi %add3A_366, %iota3A : vector<16xi32>
      %gather3A_368 = tpu.vector_load_idx %arg8[%broadcast_in_dim3A_358, %add3A_367] : memref<256x128xf32, #tpu.memory_space<vmem>>[vector<16xi32>, vector<16xi32>], vector<16xf32>,
      %add3A_369 = arith.constant 0 : i32
      %add3A_370 = vector.broadcast %add3A_369 : i32 to vector<16xi32>
      %add3A_371 = arith.addi %add3A_370, %iota3A : vector<16xi32>
      tpu.vector_store_idx %arg9[%broadcast_in_dim3A_363, %add3A_371], %gather3A_368 : memref<512x32xf32, #tpu.memory_space<vmem>>[vector<16xi32>, vector<16xi32>], vector<16xf32>,
      %add3A_372 = arith.constant 16 : i32
      %add3A_373 = arith.addi %mul3A_355, %add3A_372 : i32
      %add3A_374 = vector.broadcast %add3A_373 : i32 to vector<16xi32>
      %add3A_375 = arith.addi %add3A_374, %iota3A : vector<16xi32>
      %gather3A_376 = tpu.vector_load_idx %arg8[%broadcast_in_dim3A_358, %add3A_375] : memref<256x128xf32, #tpu.memory_space<vmem>>[vector<16xi32>, vector<16xi32>], vector<16xf32>,
      %add3A_377 = arith.constant 16 : i32
      %add3A_378 = vector.broadcast %add3A_377 : i32 to vector<16xi32>
      %add3A_379 = arith.addi %add3A_378, %iota3A : vector<16xi32>
      tpu.vector_store_idx %arg9[%broadcast_in_dim3A_363, %add3A_379], %gather3A_376 : memref<512x32xf32, #tpu.memory_space<vmem>>[vector<16xi32>, vector<16xi32>], vector<16xf32>,
      %slice3A_380 = vector.extract_strided_slice %get3A_97 {offsets = [9], sizes = [1], strides = [1]} : vector<16xi32> to vector<1xi32>
      %squeeze3A_381 = vector.extract %slice3A_380[0] : i32 from vector<1xi32>
      %shift_right_arithmetic3A_382 = arith.constant 14 : i32
      %shift_right_arithmetic3A_383 = arith.shrsi %squeeze3A_381, %shift_right_arithmetic3A_382 : i32
      %and3A_384 = arith.constant 3 : i32
      %and3A_385 = arith.andi %shift_right_arithmetic3A_383, %and3A_384 : i32
      %mul3A_386 = arith.constant 32 : i32
      %mul3A_387 = arith.muli %and3A_385, %mul3A_386 : i32
      %add3A_388 = arith.constant 9 : i32
      %add3A_389 = arith.addi %mul3A_94, %add3A_388 : i32
      %broadcast_in_dim3A_390 = vector.broadcast %add3A_389 : i32 to vector<16xi32>
      %add3A_391 = arith.constant 256 : i32
      %add3A_392 = arith.addi %add3A_391, %mul3A_94 : i32
      %add3A_393 = arith.constant 9 : i32
      %add3A_394 = arith.addi %add3A_392, %add3A_393 : i32
      %broadcast_in_dim3A_395 = vector.broadcast %add3A_394 : i32 to vector<16xi32>
      %add3A_396 = arith.constant 0 : i32
      %add3A_397 = arith.addi %mul3A_387, %add3A_396 : i32
      %add3A_398 = vector.broadcast %add3A_397 : i32 to vector<16xi32>
      %add3A_399 = arith.addi %add3A_398, %iota3A : vector<16xi32>
      %gather3A_400 = tpu.vector_load_idx %arg8[%broadcast_in_dim3A_390, %add3A_399] : memref<256x128xf32, #tpu.memory_space<vmem>>[vector<16xi32>, vector<16xi32>], vector<16xf32>,
      %add3A_401 = arith.constant 0 : i32
      %add3A_402 = vector.broadcast %add3A_401 : i32 to vector<16xi32>
      %add3A_403 = arith.addi %add3A_402, %iota3A : vector<16xi32>
      tpu.vector_store_idx %arg9[%broadcast_in_dim3A_395, %add3A_403], %gather3A_400 : memref<512x32xf32, #tpu.memory_space<vmem>>[vector<16xi32>, vector<16xi32>], vector<16xf32>,
      %add3A_404 = arith.constant 16 : i32
      %add3A_405 = arith.addi %mul3A_387, %add3A_404 : i32
      %add3A_406 = vector.broadcast %add3A_405 : i32 to vector<16xi32>
      %add3A_407 = arith.addi %add3A_406, %iota3A : vector<16xi32>
      %gather3A_408 = tpu.vector_load_idx %arg8[%broadcast_in_dim3A_390, %add3A_407] : memref<256x128xf32, #tpu.memory_space<vmem>>[vector<16xi32>, vector<16xi32>], vector<16xf32>,
      %add3A_409 = arith.constant 16 : i32
      %add3A_410 = vector.broadcast %add3A_409 : i32 to vector<16xi32>
      %add3A_411 = arith.addi %add3A_410, %iota3A : vector<16xi32>
      tpu.vector_store_idx %arg9[%broadcast_in_dim3A_395, %add3A_411], %gather3A_408 : memref<512x32xf32, #tpu.memory_space<vmem>>[vector<16xi32>, vector<16xi32>], vector<16xf32>,
      %slice3A_412 = vector.extract_strided_slice %get3A_97 {offsets = [10], sizes = [1], strides = [1]} : vector<16xi32> to vector<1xi32>
      %squeeze3A_413 = vector.extract %slice3A_412[0] : i32 from vector<1xi32>
      %shift_right_arithmetic3A_414 = arith.constant 14 : i32
      %shift_right_arithmetic3A_415 = arith.shrsi %squeeze3A_413, %shift_right_arithmetic3A_414 : i32
      %and3A_416 = arith.constant 3 : i32
      %and3A_417 = arith.andi %shift_right_arithmetic3A_415, %and3A_416 : i32
      %mul3A_418 = arith.constant 32 : i32
      %mul3A_419 = arith.muli %and3A_417, %mul3A_418 : i32
      %add3A_420 = arith.constant 10 : i32
      %add3A_421 = arith.addi %mul3A_94, %add3A_420 : i32
      %broadcast_in_dim3A_422 = vector.broadcast %add3A_421 : i32 to vector<16xi32>
      %add3A_423 = arith.constant 256 : i32
      %add3A_424 = arith.addi %add3A_423, %mul3A_94 : i32
      %add3A_425 = arith.constant 10 : i32
      %add3A_426 = arith.addi %add3A_424, %add3A_425 : i32
      %broadcast_in_dim3A_427 = vector.broadcast %add3A_426 : i32 to vector<16xi32>
      %add3A_428 = arith.constant 0 : i32
      %add3A_429 = arith.addi %mul3A_419, %add3A_428 : i32
      %add3A_430 = vector.broadcast %add3A_429 : i32 to vector<16xi32>
      %add3A_431 = arith.addi %add3A_430, %iota3A : vector<16xi32>
      %gather3A_432 = tpu.vector_load_idx %arg8[%broadcast_in_dim3A_422, %add3A_431] : memref<256x128xf32, #tpu.memory_space<vmem>>[vector<16xi32>, vector<16xi32>], vector<16xf32>,
      %add3A_433 = arith.constant 0 : i32
      %add3A_434 = vector.broadcast %add3A_433 : i32 to vector<16xi32>
      %add3A_435 = arith.addi %add3A_434, %iota3A : vector<16xi32>
      tpu.vector_store_idx %arg9[%broadcast_in_dim3A_427, %add3A_435], %gather3A_432 : memref<512x32xf32, #tpu.memory_space<vmem>>[vector<16xi32>, vector<16xi32>], vector<16xf32>,
      %add3A_436 = arith.constant 16 : i32
      %add3A_437 = arith.addi %mul3A_419, %add3A_436 : i32
      %add3A_438 = vector.broadcast %add3A_437 : i32 to vector<16xi32>
      %add3A_439 = arith.addi %add3A_438, %iota3A : vector<16xi32>
      %gather3A_440 = tpu.vector_load_idx %arg8[%broadcast_in_dim3A_422, %add3A_439] : memref<256x128xf32, #tpu.memory_space<vmem>>[vector<16xi32>, vector<16xi32>], vector<16xf32>,
      %add3A_441 = arith.constant 16 : i32
      %add3A_442 = vector.broadcast %add3A_441 : i32 to vector<16xi32>
      %add3A_443 = arith.addi %add3A_442, %iota3A : vector<16xi32>
      tpu.vector_store_idx %arg9[%broadcast_in_dim3A_427, %add3A_443], %gather3A_440 : memref<512x32xf32, #tpu.memory_space<vmem>>[vector<16xi32>, vector<16xi32>], vector<16xf32>,
      %slice3A_444 = vector.extract_strided_slice %get3A_97 {offsets = [11], sizes = [1], strides = [1]} : vector<16xi32> to vector<1xi32>
      %squeeze3A_445 = vector.extract %slice3A_444[0] : i32 from vector<1xi32>
      %shift_right_arithmetic3A_446 = arith.constant 14 : i32
      %shift_right_arithmetic3A_447 = arith.shrsi %squeeze3A_445, %shift_right_arithmetic3A_446 : i32
      %and3A_448 = arith.constant 3 : i32
      %and3A_449 = arith.andi %shift_right_arithmetic3A_447, %and3A_448 : i32
      %mul3A_450 = arith.constant 32 : i32
      %mul3A_451 = arith.muli %and3A_449, %mul3A_450 : i32
      %add3A_452 = arith.constant 11 : i32
      %add3A_453 = arith.addi %mul3A_94, %add3A_452 : i32
      %broadcast_in_dim3A_454 = vector.broadcast %add3A_453 : i32 to vector<16xi32>
      %add3A_455 = arith.constant 256 : i32
      %add3A_456 = arith.addi %add3A_455, %mul3A_94 : i32
      %add3A_457 = arith.constant 11 : i32
      %add3A_458 = arith.addi %add3A_456, %add3A_457 : i32
      %broadcast_in_dim3A_459 = vector.broadcast %add3A_458 : i32 to vector<16xi32>
      %add3A_460 = arith.constant 0 : i32
      %add3A_461 = arith.addi %mul3A_451, %add3A_460 : i32
      %add3A_462 = vector.broadcast %add3A_461 : i32 to vector<16xi32>
      %add3A_463 = arith.addi %add3A_462, %iota3A : vector<16xi32>
      %gather3A_464 = tpu.vector_load_idx %arg8[%broadcast_in_dim3A_454, %add3A_463] : memref<256x128xf32, #tpu.memory_space<vmem>>[vector<16xi32>, vector<16xi32>], vector<16xf32>,
      %add3A_465 = arith.constant 0 : i32
      %add3A_466 = vector.broadcast %add3A_465 : i32 to vector<16xi32>
      %add3A_467 = arith.addi %add3A_466, %iota3A : vector<16xi32>
      tpu.vector_store_idx %arg9[%broadcast_in_dim3A_459, %add3A_467], %gather3A_464 : memref<512x32xf32, #tpu.memory_space<vmem>>[vector<16xi32>, vector<16xi32>], vector<16xf32>,
      %add3A_468 = arith.constant 16 : i32
      %add3A_469 = arith.addi %mul3A_451, %add3A_468 : i32
      %add3A_470 = vector.broadcast %add3A_469 : i32 to vector<16xi32>
      %add3A_471 = arith.addi %add3A_470, %iota3A : vector<16xi32>
      %gather3A_472 = tpu.vector_load_idx %arg8[%broadcast_in_dim3A_454, %add3A_471] : memref<256x128xf32, #tpu.memory_space<vmem>>[vector<16xi32>, vector<16xi32>], vector<16xf32>,
      %add3A_473 = arith.constant 16 : i32
      %add3A_474 = vector.broadcast %add3A_473 : i32 to vector<16xi32>
      %add3A_475 = arith.addi %add3A_474, %iota3A : vector<16xi32>
      tpu.vector_store_idx %arg9[%broadcast_in_dim3A_459, %add3A_475], %gather3A_472 : memref<512x32xf32, #tpu.memory_space<vmem>>[vector<16xi32>, vector<16xi32>], vector<16xf32>,
      %slice3A_476 = vector.extract_strided_slice %get3A_97 {offsets = [12], sizes = [1], strides = [1]} : vector<16xi32> to vector<1xi32>
      %squeeze3A_477 = vector.extract %slice3A_476[0] : i32 from vector<1xi32>
      %shift_right_arithmetic3A_478 = arith.constant 14 : i32
      %shift_right_arithmetic3A_479 = arith.shrsi %squeeze3A_477, %shift_right_arithmetic3A_478 : i32
      %and3A_480 = arith.constant 3 : i32
      %and3A_481 = arith.andi %shift_right_arithmetic3A_479, %and3A_480 : i32
      %mul3A_482 = arith.constant 32 : i32
      %mul3A_483 = arith.muli %and3A_481, %mul3A_482 : i32
      %add3A_484 = arith.constant 12 : i32
      %add3A_485 = arith.addi %mul3A_94, %add3A_484 : i32
      %broadcast_in_dim3A_486 = vector.broadcast %add3A_485 : i32 to vector<16xi32>
      %add3A_487 = arith.constant 256 : i32
      %add3A_488 = arith.addi %add3A_487, %mul3A_94 : i32
      %add3A_489 = arith.constant 12 : i32
      %add3A_490 = arith.addi %add3A_488, %add3A_489 : i32
      %broadcast_in_dim3A_491 = vector.broadcast %add3A_490 : i32 to vector<16xi32>
      %add3A_492 = arith.constant 0 : i32
      %add3A_493 = arith.addi %mul3A_483, %add3A_492 : i32
      %add3A_494 = vector.broadcast %add3A_493 : i32 to vector<16xi32>
      %add3A_495 = arith.addi %add3A_494, %iota3A : vector<16xi32>
      %gather3A_496 = tpu.vector_load_idx %arg8[%broadcast_in_dim3A_486, %add3A_495] : memref<256x128xf32, #tpu.memory_space<vmem>>[vector<16xi32>, vector<16xi32>], vector<16xf32>,
      %add3A_497 = arith.constant 0 : i32
      %add3A_498 = vector.broadcast %add3A_497 : i32 to vector<16xi32>
      %add3A_499 = arith.addi %add3A_498, %iota3A : vector<16xi32>
      tpu.vector_store_idx %arg9[%broadcast_in_dim3A_491, %add3A_499], %gather3A_496 : memref<512x32xf32, #tpu.memory_space<vmem>>[vector<16xi32>, vector<16xi32>], vector<16xf32>,
      %add3A_500 = arith.constant 16 : i32
      %add3A_501 = arith.addi %mul3A_483, %add3A_500 : i32
      %add3A_502 = vector.broadcast %add3A_501 : i32 to vector<16xi32>
      %add3A_503 = arith.addi %add3A_502, %iota3A : vector<16xi32>
      %gather3A_504 = tpu.vector_load_idx %arg8[%broadcast_in_dim3A_486, %add3A_503] : memref<256x128xf32, #tpu.memory_space<vmem>>[vector<16xi32>, vector<16xi32>], vector<16xf32>,
      %add3A_505 = arith.constant 16 : i32
      %add3A_506 = vector.broadcast %add3A_505 : i32 to vector<16xi32>
      %add3A_507 = arith.addi %add3A_506, %iota3A : vector<16xi32>
      tpu.vector_store_idx %arg9[%broadcast_in_dim3A_491, %add3A_507], %gather3A_504 : memref<512x32xf32, #tpu.memory_space<vmem>>[vector<16xi32>, vector<16xi32>], vector<16xf32>,
      %slice3A_508 = vector.extract_strided_slice %get3A_97 {offsets = [13], sizes = [1], strides = [1]} : vector<16xi32> to vector<1xi32>
      %squeeze3A_509 = vector.extract %slice3A_508[0] : i32 from vector<1xi32>
      %shift_right_arithmetic3A_510 = arith.constant 14 : i32
      %shift_right_arithmetic3A_511 = arith.shrsi %squeeze3A_509, %shift_right_arithmetic3A_510 : i32
      %and3A_512 = arith.constant 3 : i32
      %and3A_513 = arith.andi %shift_right_arithmetic3A_511, %and3A_512 : i32
      %mul3A_514 = arith.constant 32 : i32
      %mul3A_515 = arith.muli %and3A_513, %mul3A_514 : i32
      %add3A_516 = arith.constant 13 : i32
      %add3A_517 = arith.addi %mul3A_94, %add3A_516 : i32
      %broadcast_in_dim3A_518 = vector.broadcast %add3A_517 : i32 to vector<16xi32>
      %add3A_519 = arith.constant 256 : i32
      %add3A_520 = arith.addi %add3A_519, %mul3A_94 : i32
      %add3A_521 = arith.constant 13 : i32
      %add3A_522 = arith.addi %add3A_520, %add3A_521 : i32
      %broadcast_in_dim3A_523 = vector.broadcast %add3A_522 : i32 to vector<16xi32>
      %add3A_524 = arith.constant 0 : i32
      %add3A_525 = arith.addi %mul3A_515, %add3A_524 : i32
      %add3A_526 = vector.broadcast %add3A_525 : i32 to vector<16xi32>
      %add3A_527 = arith.addi %add3A_526, %iota3A : vector<16xi32>
      %gather3A_528 = tpu.vector_load_idx %arg8[%broadcast_in_dim3A_518, %add3A_527] : memref<256x128xf32, #tpu.memory_space<vmem>>[vector<16xi32>, vector<16xi32>], vector<16xf32>,
      %add3A_529 = arith.constant 0 : i32
      %add3A_530 = vector.broadcast %add3A_529 : i32 to vector<16xi32>
      %add3A_531 = arith.addi %add3A_530, %iota3A : vector<16xi32>
      tpu.vector_store_idx %arg9[%broadcast_in_dim3A_523, %add3A_531], %gather3A_528 : memref<512x32xf32, #tpu.memory_space<vmem>>[vector<16xi32>, vector<16xi32>], vector<16xf32>,
      %add3A_532 = arith.constant 16 : i32
      %add3A_533 = arith.addi %mul3A_515, %add3A_532 : i32
      %add3A_534 = vector.broadcast %add3A_533 : i32 to vector<16xi32>
      %add3A_535 = arith.addi %add3A_534, %iota3A : vector<16xi32>
      %gather3A_536 = tpu.vector_load_idx %arg8[%broadcast_in_dim3A_518, %add3A_535] : memref<256x128xf32, #tpu.memory_space<vmem>>[vector<16xi32>, vector<16xi32>], vector<16xf32>,
      %add3A_537 = arith.constant 16 : i32
      %add3A_538 = vector.broadcast %add3A_537 : i32 to vector<16xi32>
      %add3A_539 = arith.addi %add3A_538, %iota3A : vector<16xi32>
      tpu.vector_store_idx %arg9[%broadcast_in_dim3A_523, %add3A_539], %gather3A_536 : memref<512x32xf32, #tpu.memory_space<vmem>>[vector<16xi32>, vector<16xi32>], vector<16xf32>,
      %slice3A_540 = vector.extract_strided_slice %get3A_97 {offsets = [14], sizes = [1], strides = [1]} : vector<16xi32> to vector<1xi32>
      %squeeze3A_541 = vector.extract %slice3A_540[0] : i32 from vector<1xi32>
      %shift_right_arithmetic3A_542 = arith.constant 14 : i32
      %shift_right_arithmetic3A_543 = arith.shrsi %squeeze3A_541, %shift_right_arithmetic3A_542 : i32
      %and3A_544 = arith.constant 3 : i32
      %and3A_545 = arith.andi %shift_right_arithmetic3A_543, %and3A_544 : i32
      %mul3A_546 = arith.constant 32 : i32
      %mul3A_547 = arith.muli %and3A_545, %mul3A_546 : i32
      %add3A_548 = arith.constant 14 : i32
      %add3A_549 = arith.addi %mul3A_94, %add3A_548 : i32
      %broadcast_in_dim3A_550 = vector.broadcast %add3A_549 : i32 to vector<16xi32>
      %add3A_551 = arith.constant 256 : i32
      %add3A_552 = arith.addi %add3A_551, %mul3A_94 : i32
      %add3A_553 = arith.constant 14 : i32
      %add3A_554 = arith.addi %add3A_552, %add3A_553 : i32
      %broadcast_in_dim3A_555 = vector.broadcast %add3A_554 : i32 to vector<16xi32>
      %add3A_556 = arith.constant 0 : i32
      %add3A_557 = arith.addi %mul3A_547, %add3A_556 : i32
      %add3A_558 = vector.broadcast %add3A_557 : i32 to vector<16xi32>
      %add3A_559 = arith.addi %add3A_558, %iota3A : vector<16xi32>
      %gather3A_560 = tpu.vector_load_idx %arg8[%broadcast_in_dim3A_550, %add3A_559] : memref<256x128xf32, #tpu.memory_space<vmem>>[vector<16xi32>, vector<16xi32>], vector<16xf32>,
      %add3A_561 = arith.constant 0 : i32
      %add3A_562 = vector.broadcast %add3A_561 : i32 to vector<16xi32>
      %add3A_563 = arith.addi %add3A_562, %iota3A : vector<16xi32>
      tpu.vector_store_idx %arg9[%broadcast_in_dim3A_555, %add3A_563], %gather3A_560 : memref<512x32xf32, #tpu.memory_space<vmem>>[vector<16xi32>, vector<16xi32>], vector<16xf32>,
      %add3A_564 = arith.constant 16 : i32
      %add3A_565 = arith.addi %mul3A_547, %add3A_564 : i32
      %add3A_566 = vector.broadcast %add3A_565 : i32 to vector<16xi32>
      %add3A_567 = arith.addi %add3A_566, %iota3A : vector<16xi32>
      %gather3A_568 = tpu.vector_load_idx %arg8[%broadcast_in_dim3A_550, %add3A_567] : memref<256x128xf32, #tpu.memory_space<vmem>>[vector<16xi32>, vector<16xi32>], vector<16xf32>,
      %add3A_569 = arith.constant 16 : i32
      %add3A_570 = vector.broadcast %add3A_569 : i32 to vector<16xi32>
      %add3A_571 = arith.addi %add3A_570, %iota3A : vector<16xi32>
      tpu.vector_store_idx %arg9[%broadcast_in_dim3A_555, %add3A_571], %gather3A_568 : memref<512x32xf32, #tpu.memory_space<vmem>>[vector<16xi32>, vector<16xi32>], vector<16xf32>,
      %slice3A_572 = vector.extract_strided_slice %get3A_97 {offsets = [15], sizes = [1], strides = [1]} : vector<16xi32> to vector<1xi32>
      %squeeze3A_573 = vector.extract %slice3A_572[0] : i32 from vector<1xi32>
      %shift_right_arithmetic3A_574 = arith.constant 14 : i32
      %shift_right_arithmetic3A_575 = arith.shrsi %squeeze3A_573, %shift_right_arithmetic3A_574 : i32
      %and3A_576 = arith.constant 3 : i32
      %and3A_577 = arith.andi %shift_right_arithmetic3A_575, %and3A_576 : i32
      %mul3A_578 = arith.constant 32 : i32
      %mul3A_579 = arith.muli %and3A_577, %mul3A_578 : i32
      %add3A_580 = arith.constant 15 : i32
      %add3A_581 = arith.addi %mul3A_94, %add3A_580 : i32
      %broadcast_in_dim3A_582 = vector.broadcast %add3A_581 : i32 to vector<16xi32>
      %add3A_583 = arith.constant 256 : i32
      %add3A_584 = arith.addi %add3A_583, %mul3A_94 : i32
      %add3A_585 = arith.constant 15 : i32
      %add3A_586 = arith.addi %add3A_584, %add3A_585 : i32
      %broadcast_in_dim3A_587 = vector.broadcast %add3A_586 : i32 to vector<16xi32>
      %add3A_588 = arith.constant 0 : i32
      %add3A_589 = arith.addi %mul3A_579, %add3A_588 : i32
      %add3A_590 = vector.broadcast %add3A_589 : i32 to vector<16xi32>
      %add3A_591 = arith.addi %add3A_590, %iota3A : vector<16xi32>
      %gather3A_592 = tpu.vector_load_idx %arg8[%broadcast_in_dim3A_582, %add3A_591] : memref<256x128xf32, #tpu.memory_space<vmem>>[vector<16xi32>, vector<16xi32>], vector<16xf32>,
      %add3A_593 = arith.constant 0 : i32
      %add3A_594 = vector.broadcast %add3A_593 : i32 to vector<16xi32>
      %add3A_595 = arith.addi %add3A_594, %iota3A : vector<16xi32>
      tpu.vector_store_idx %arg9[%broadcast_in_dim3A_587, %add3A_595], %gather3A_592 : memref<512x32xf32, #tpu.memory_space<vmem>>[vector<16xi32>, vector<16xi32>], vector<16xf32>,
      %add3A_596 = arith.constant 16 : i32
      %add3A_597 = arith.addi %mul3A_579, %add3A_596 : i32
      %add3A_598 = vector.broadcast %add3A_597 : i32 to vector<16xi32>
      %add3A_599 = arith.addi %add3A_598, %iota3A : vector<16xi32>
      %gather3A_600 = tpu.vector_load_idx %arg8[%broadcast_in_dim3A_582, %add3A_599] : memref<256x128xf32, #tpu.memory_space<vmem>>[vector<16xi32>, vector<16xi32>], vector<16xf32>,
      %add3A_601 = arith.constant 16 : i32
      %add3A_602 = vector.broadcast %add3A_601 : i32 to vector<16xi32>
      %add3A_603 = arith.addi %add3A_602, %iota3A : vector<16xi32>
      tpu.vector_store_idx %arg9[%broadcast_in_dim3A_587, %add3A_603], %gather3A_600 : memref<512x32xf32, #tpu.memory_space<vmem>>[vector<16xi32>, vector<16xi32>], vector<16xf32>,
    }
    %scan3A_91 = arith.constant 16 : i32
    "tpu.region"() ({
      %run_scoped3A = tpu.sem_alloc : memref<!tpu.dma_semaphore, #tpu.memory_space<semaphore_mem>>
      %dma_start3A_92 = arith.constant 0 : i32
      %dma_start3A_93 = tpu.memref_slice %arg5[%mul3A_2, %dma_start3A_92] : memref<16384x32xf32, #tpu.memory_space<hbm>> -> memref<512x32xf32, #tpu.memory_space<hbm>>
      %dma_start3A_94 = arith.constant 0 : i32
      %dma_start3A_95 = tpu.memref_slice %arg5[%mul3A_2, %dma_start3A_94] : memref<16384x32xf32, #tpu.memory_space<hbm>> -> memref<512x32xf32, #tpu.memory_space<hbm>>
      tpu.enqueue_dma source(%arg9 : memref<512x32xf32, #tpu.memory_space<vmem>>) target(%dma_start3A_95 : memref<512x32xf32, #tpu.memory_space<hbm>>) target_semaphore(%run_scoped3A : memref<!tpu.dma_semaphore, #tpu.memory_space<semaphore_mem>>)
      %dma_wait3A_96 = arith.constant 0 : i32
      %dma_wait3A_97 = tpu.memref_slice %arg5[%mul3A_2, %dma_wait3A_96] : memref<16384x32xf32, #tpu.memory_space<hbm>> -> memref<512x32xf32, #tpu.memory_space<hbm>>
      %dma_wait3A_98 = arith.constant 0 : i32
      %dma_wait3A_99 = tpu.memref_slice %arg5[%mul3A_2, %dma_wait3A_98] : memref<16384x32xf32, #tpu.memory_space<hbm>> -> memref<512x32xf32, #tpu.memory_space<hbm>>
      tpu.wait_dma2 semaphore(%run_scoped3A : memref<!tpu.dma_semaphore, #tpu.memory_space<semaphore_mem>>) src(%arg9 : memref<512x32xf32, #tpu.memory_space<vmem>>) dst(%dma_wait3A_99 : memref<512x32xf32, #tpu.memory_space<hbm>>)
      tpu.yield
    }) : () -> ()
    return
  }
}

</mosaic_0001>

<sc_bundles>
// kernel: _sc_gather.3.cloned.1.call-start
scs
__scs_entry_jumppad:
0x0: {  	(pc) =	sbr.rel $0x88, $3  }
0x1: {  	(tag) =	ssettag $0x0;
	lr =	simm.s32 $0x1  }
0x2: {  	[smem:$0x3F9E] =	sst lr;
	_ =	strace $0xD0000000  }
0x3: {  	_ = 	snop  }
0x4: {  	_ = 	snop  }
0x5: {  	_ = 	snop  }
0x6: {  	_ = 	snop  }
0x7: {  	_ = 	snop  }
__scs_overlays_trampoline_lowered:
0x8: {  	[smem:$0x3FAD] =	sst s0  }
0x9: {  	[smem:$0x3FAE] =	sst s1  }
0xa: {  	[smem:$0x3FAF] =	sst s2  }
0xb: {  	[smem:$0x3FB0] =	sst s3  }
0xc: {  	[smem:$0x3FB1] =	sst s4  }
0xd: {  	[smem:$0x3FB2] =	sst s5  }
0xe: {  	[smem:$0x3FB3] =	sst s6  }
0xf: {  	[smem:$0x3FB4] =	sst s7  }
0x10: {  	[smem:$0x3FB5] =	sst s8  }
0x11: {  	[smem:$0x3FB6] =	sst s9;
	s0 =	simm.s32 @!p0 $0x0  }
0x12: {  	s1 =	sld [smem:$0x3F9C];
	s0 =	simm.s32 @p0 $0x1  }
0x13: {  	[smem:$0x3FB7] =	sst s0;
	s0 =	simm.s32 @!p1 $0x0  }
0x14: {  	s2 =	sld [smem:$0x3F9B];
	s0 =	simm.s32 @p1 $0x1  }
0x15: {  	[smem:$0x3FB8] =	sst s0;
	s0 =	simm.s32 @!p2 $0x0  }
0x16: {  	s3 =	sld [smem:$0x3FDB];
	s0 =	simm.s32 @p2 $0x1  }
0x17: {  	s4 =	simm.s32 $0x1BF5;
	[smem:$0x3FBA] =	sst s0  }
0x18: {  	s0 =	sld [smem:$0x3F9D];
	_ =	swait.ge [sflag:s4], $0x0  }
0x19: {  	s7 =	sld [smem:$0x3F9E]  }
0x1a: {  	s8 =	sadd.s32 $0xFFFFE003, lr  }
0x1b: {  	s9 =	sadd.s32 $0xFFFFFEF7, lr;
	s5 =	simm.s32 $0xFFFFFFFF;
	p2 =	slt.u32 s8, $0xFFFFF086  }
0x1c: {  	p1 =	slt.u32 s9, $0xF7A;
	s5 =	simm.s32 @!p2 $0x0  }
0x1d: {  	s5 =	simm.s32 @p1 $0x1;
	p0 =	seq.s32 s7, s2  }
0x1e: {  	s7 =	smul.u32 @!p0 $0xF7A, s2;
	p2 =	seq.s32 @!p0 s5, $0x0  }
0x1f: {  	s9 =	smul.u32 $0xF7A, s1;
	s8 =	simm.s32 @!p0 $0x1BF5;
	p2 =	por !p2, p0  }
0x20: {  	[sflag:s8] =	ssyncset.s32 @!p0 $0xFFFFF086;
	s6 =	sadd.s32 @!p0 s3, s7;
	s7 =	simm.s32 @!p0 $0x108  }
0x21: {  	s3 =	sadd.s32 s3, s9;
	s6 =	sadd.s32 @!p0 $0x88, s6;
	s7 =	simm.s32 @p2 $0x1082  }
0x22: {  	[simem:s7], [sflag:s8] =	dma.local @!p0 [hbm:s6], $0xF7A  }
0x23: {  	s9 =	sor.u32 $0xD0000000, s2;
	s6 =	simm.s32 $0x108;
	_ =	swait.ge @!p0 [sflag:s8], $0x0  }
0x24: {  	s3 =	sadd.s32 $0x88, s3;
	s6 =	simm.s32 @!p1 $0x1082;
	[sflag:s4] =	ssyncset.s32 $0xFFFFF086  }
0x25: {  	[simem:s6], [sflag:s4] =	dma.local [hbm:s3], $0xF7A  }
0x26: {  	[smem:$0x3F9E] =	sst s1;
	(tag) =	ssettag s2;
	_ =	strace s9  }
0x27: {  	s1 =	sld [smem:$0x3FAE]  }
0x28: {  	s2 =	sld [smem:$0x3FAF]  }
0x29: {  	s4 =	sld [smem:$0x3FB1]  }
0x2a: {  	p0 =	seq.s32 s5, $0x0;
	s5 =	sld [smem:$0x3FB2]  }
0x2b: {  	s6 =	sld [smem:$0x3FB3]  }
0x2c: {  	s7 =	sld [smem:$0x3FB4]  }
0x2d: {  	s3 =	simm.s32 $0x108;
	s8 =	sld [smem:$0x3FB5]  }
0x2e: {  	s3 =	simm.s32 @!p0 $0x1082;
	s9 =	sld [smem:$0x3FB6]  }
0x2f: {  	lr =	sadd.s32 s0, s3;
	s0 =	sld [smem:$0x3FAD]  }
0x30: {  	s3 =	sld [smem:$0x3FB0]  }
0x31: {  	[smem:$0x3FB9] =	sst s10  }
0x32: {  	s10 =	sld [smem:$0x3FB7];
	_ =	sdelay $0x3  }
0x33: {  	p0 =	seq.s32 s10, $0x1;
	s10 =	sld [smem:$0x3FB9];
	_ =	sdelay $0x3  }
0x34: {  	[smem:$0x3FB9] =	sst s10  }
0x35: {  	s10 =	sld [smem:$0x3FB8];
	_ =	sdelay $0x3  }
0x36: {  	p1 =	seq.s32 s10, $0x1;
	s10 =	sld [smem:$0x3FB9];
	_ =	sdelay $0x3  }
0x37: {  	[smem:$0x3FB9] =	sst s10  }
0x38: {  	s10 =	sld [smem:$0x3FBA]  }
0x39: {  	_ = 	snop;
	(pc) =	sbr.ind lr, $3  }
0x3a: {  	_ = 	snop  }
0x3b: {  	_ = 	snop  }
0x3c: {  	p2 =	seq.s32 s10, $0x1;
	s10 =	sld [smem:$0x3FB9]  }
0x3d: {  	_ =	shalt  }
0x3e: {  	_ =	shalt  }
0x3f: {  	_ =	shalt  }
0x40: {  	_ =	shalt  }
0x41: {  	_ =	shalt  }
0x42: {  	_ =	shalt  }
0x43: {  	_ =	shalt  }
0x44: {  	_ =	shalt  }
0x45: {  	_ =	shalt  }
0x46: {  	_ =	shalt  }
0x47: {  	_ =	shalt  }
0x48: {  	_ =	shalt  }
0x49: {  	_ =	shalt  }
0x4a: {  	_ =	shalt  }
0x4b: {  	_ =	shalt  }
0x4c: {  	_ =	shalt  }
0x4d: {  	_ =	shalt  }
0x4e: {  	_ =	shalt  }
0x4f: {  	_ =	shalt  }
0x50: {  	_ =	shalt  }
0x51: {  	_ =	shalt  }
0x52: {  	_ =	shalt  }
0x53: {  	_ =	shalt  }
0x54: {  	_ =	shalt  }
0x55: {  	_ =	shalt  }
0x56: {  	_ =	shalt  }
0x57: {  	_ =	shalt  }
0x58: {  	_ =	shalt  }
0x59: {  	_ =	shalt  }
0x5a: {  	_ =	shalt  }
0x5b: {  	_ =	shalt  }
0x5c: {  	_ =	shalt  }
0x5d: {  	_ =	shalt  }
0x5e: {  	_ =	shalt  }
0x5f: {  	_ =	shalt  }
0x60: {  	_ =	shalt  }
0x61: {  	_ =	shalt  }
0x62: {  	_ =	shalt  }
0x63: {  	_ =	shalt  }
0x64: {  	_ =	shalt  }
0x65: {  	_ =	shalt  }
0x66: {  	_ =	shalt  }
0x67: {  	_ =	shalt  }
0x68: {  	_ =	shalt  }
0x69: {  	_ =	shalt  }
0x6a: {  	_ =	shalt  }
0x6b: {  	_ =	shalt  }
0x6c: {  	_ =	shalt  }
0x6d: {  	_ =	shalt  }
0x6e: {  	_ =	shalt  }
0x6f: {  	_ =	shalt  }
0x70: {  	_ =	shalt  }
0x71: {  	_ =	shalt  }
0x72: {  	_ =	shalt  }
0x73: {  	_ =	shalt  }
0x74: {  	_ =	shalt  }
0x75: {  	_ =	shalt  }
0x76: {  	_ =	shalt  }
0x77: {  	_ =	shalt  }
0x78: {  	_ =	shalt  }
0x79: {  	_ =	shalt  }
0x7a: {  	_ =	shalt  }
0x7b: {  	_ =	shalt  }
0x7c: {  	_ =	shalt  }
0x7d: {  	_ =	shalt  }
0x7e: {  	_ =	shalt  }
0x7f: {  	_ =	shalt  }
0x80: {  	_ =	shalt  }
0x81: {  	_ =	shalt  }
0x82: {  	_ =	shalt  }
0x83: {  	_ =	shalt  }
0x84: {  	_ =	shalt  }
0x85: {  	_ =	shalt  }
0x86: {  	_ =	shalt  }
0x87: {  	_ =	shalt  }
.Lfunc_end0:
.L_simem_size_0:
called_computation_lowered:
.L_overlay_start_0:
0x88: {  	s2 =	sld [smem:$0x3FD9]  }
0x89: {  	s3 =	sld [smem:$0x3FFE];
	_ =	sdelay $0x1  }
0x8a: {  	s1 =	srdreg.scid  }
0x8b: {  	s0 =	sand.u32 $0x1, s1  }
0x8c: {  	s17 =	sshll.u32 s0, $0xA;
	s2 =	sadd.s32 s3, s2  }
0x8d: {  	s2 =	sadd.s32 s2, s17  }
0x8e: {  	[smem:$0x3FC5] =	sst s2  }
0x8f: {  	_ = 	snop  }
0x90: {  	s2 =	sld [smem:$0x3FC9]  }
0x91: {  	s18 =	sld [smem:$0x3FC8]  }
0x92: {  	s4 =	sld [smem:$0x3FD0];
	(tm) =	ssettm $0x1  }
0x93: {  	s5 =	sld [smem:$0x3FFB];
	_ =	sdelay $0x3  }
0x94: {  	_ =	strace s5  }
0x95: {  	s5 =	sld [smem:$0x3FFC];
	_ =	sdelay $0x3  }
0x96: {  	_ =	strace s5  }
0x97: {  	s5 =	sld [smem:$0x3FFD];
	_ =	sdelay $0x3  }
0x98: {  	_ =	strace s5  }
0x99: {  	_ =	strace $0x8FFFFFFF  }
0x9a: {  	s19 =	sld [smem:$0x3FDB];
	_ =	sdelay $0x1  }
0x9b: {  	s6 =	simm.s32 $_scs_section_size  }
0x9c: {  	s7 =	simm.s32 $_size__tile_overlayer_lowered;
	s8 =	simm.s32 $_tile_overlayer_lowered  }
0x9d: {  	s22 =	simm.s32 $0x1BFF;
	s21 =	sshll.u32 s8, $0x1;
	s5 =	sadd.s32 s6, s19  }
0x9e: {  	s9 =	simm.s32 $0x0;
	s20 =	sshll.u32 s7, $0x1;
	s7 =	sadd.s32 s21, s5  }
0x9f: {  	[timem:s9], [sflag:s22] =	dma.local [hbm:s7], s20  }
0xa0: {  	_ =	swait.ge [sflag:s22], s20  }
0xa1: {  	s6 =	ssub.s32 $0x0, s20;
	[sflag:s22] =	ssyncset.done $0x0  }
0xa2: {  	[sflag:s22] =	ssyncadd.s32 s6;
	_ =	sdelay $0x1  }
0xa3: {  	s23 =	simm.s32 $0x1B8B  }
0xa4: {  	_ =	swait.ge [sflag:s23], $0x1  }
0xa5: {  	[sflag:s23] =	ssyncset.done $0x0  }
0xa6: {  	s25 =	simm.s32 $0x1B8E;
	s24 =	sld [smem:$0x3FFE];
	[sflag:s23] =	ssyncadd.s32 $0xFFFFFFFF  }
0xa7: {  	s26 =	simm.s32 $execute0_lowered;
	[smem:$0x3FD2] =	sst s25  }
0xa8: {  	s7 =	sshll.u32 s26, $0x1;
	_ =	strace $0x80000046;
	[dreg:$0x1] =	wrdreg $0xFFFFFFFF  }
0xa9: {  	s28 =	simm.s32 $_size_execute0_lowered;
	s5 =	sadd.s32 s5, s7;
	[dreg:$0x0] =	wrdreg $0x0  }
0xaa: {  	s7 =	sshll.u32 s28, $0x1;
	[dreg:$0x2] =	wrdreg s5  }
0xab: {  	[dreg:$0x3] =	wrdreg s7  }
0xac: {  	[dreg:$0x4] =	wrdreg $0xC0  }
0xad: {  	_ =	task [dreg:s9], $0x5FFFF  }
0xae: {  	[dreg:$0x1] =	wrdreg $0xFFFFFFFF  }
0xaf: {  	[dreg:$0x0] =	wrdreg $0x60  }
0xb0: {  	[dreg:$0x2] =	wrdreg s2  }
0xb1: {  	[dreg:$0x3] =	wrdreg s18  }
0xb2: {  	[dreg:$0x4] =	wrdreg s4  }
0xb3: {  	[dreg:$0x5] =	wrdreg s24  }
0xb4: {  	[dreg:$0x6] =	wrdreg $0x9  }
0xb5: {  	_ =	task.clear_ibuf [dreg:s9], $0x7FFFF;
	_ =	strace $0x90000046  }
0xb6: {  	s29 =	simm.s32 $0x9;
	_ =	strace $0x80000048  }
0xb7: {  	_ =	swait.ge [sflag:s29], $0x1  }
0xb8: {  	[sflag:s29] =	ssyncadd.s32 $0xFFFFFFFF  }
0xb9: {  	_ =	strace $0x90000048  }
0xba: {  	_ =	sfence  }
0xbb: {  	s30 =	sld [smem:$0x0];
	_ =	sdelay $0x2  }
0xbc: {  	s31 =	sshll.u32 s1, $0xD;
	s1 =	sshrl.u32 s1, $0x2  }
0xbd: {  	s3 =	sand.u32 $0x4000, s31;
	s1 =	sadd.s32 s1, s30  }
0xbe: {  	s0 =	sor.u32 s3, s0;
	s1 =	sshll.u32 s1, $0x11  }
0xbf: {  	s0 =	sor.u32 s1, s0  }
0xc0: {  	s0 =	sadd.s32 $0x8F2B, s0  }
0xc1: {  	[sflag:s0] =	ssyncadd.remote.s32 $0x1  }
0xc2: {  	_ =	sfence.sel $0xFFFF  }
0xc3: {  	[dreg:$0x0] =	wrdreg $0xFFFFFFFF;
	(pc) =	sbr.abs _section_cstart, $3  }
0xc4: {  	[dreg:$0x1] =	wrdreg $0xFFFFFFFF  }
0xc5: {  	_ =	task.clear_ibuf [dreg:s9], $0x2FFFF;
	_ =	strace $0x9FFFFFFF  }
0xc6: {  	(tm) =	ssettm $0x7FFFFFFF  }
0xc7: {  	_ =	shalt  }
tec
execute0_lowered:
.L_overlay_start_1:
0x0: {  	(tag) =	ssettag $0x1  }
0x1: {  	s0 =	rddreg [dreg:$0x1]  }
0x2: {  	s1 =	rddreg [dreg:$0x2]  }
0x3: {  	s2 =	rddreg [dreg:$0x3];
	s3 =	srdreg.scid  }
0x4: {  	s7 =	stileid.u32;
	s8 =	simm.s32 $0x0;
	s10 =	simm.s32 $0x400  }
0x5: {  	s3 =	sand.u32 $0x1, s3;
	s4 =	sshll.u32 s7, $0x1;
	[smem:$0x7FF] =	sst s8  }
0x6: {  	s26 =	sshll.u32 s7, $0x7;
	s4 =	sor.u32 s3, s4;
	s3 =	ssub.s32 $0x2, s3  }
0x7: {  	_ =	strace $0x80000047;
	s5 =	sshll.u32 s4, $0xD;
	s6 =	sshrl.u32 s3, $0x1  }
0x8: {  	s28 =	sshll.u32 s4, $0x6;
	s4 =	sshll.u32 s4, $0x4;
	s2 =	sadd.s32 s5, s2  }
0x9: {  	s3 =	ssub.s32 s3, s6;
	s5 =	sand.u32 $0x600, s26;
	s0 =	sadd.s32 s0, s28  }
0xa: {  	s29 =	sand.u32 $0x70, s4;
	[smem:$0x7FA] =	sst s0;
	s30 =	sadd.s32 $0x400, s2  }
0xb: {  	s1 =	sadd.s32 s1, s5;
	s31 =	smax.u32 s3, $0x1;
	[smem:$0x7FC] =	sst s30  }
0xc: {  	v0 =	vlaneseq.u32;
	s13 =	simm.s32 $0x8400;
	s0 =	sadd.s32 s29, s1;
	[smem:$0x7FD] =	sst s31  }
0xd: {  	v1 =	vor.u32 $0x10, v0;
	s2 =	simm.s32 $0x0;
	s1 =	simm.s32 $0x2;
	[smem:$0x7FB] =	sst s0  }
.LBB2_1:
0xe: {  	s0 =	sld [smem:$0x7FA];
	_ =	sdelay $0x1  }
0xf: {  	[smem:$0x7F9] =	sst s2  }
0x10: {  	[tilespmem:s8], [sflag:$0x2] =	stream.linear.gather [hbm4b:s0+s8], $0x200, $0x38;
	[tilespmem:$0x18400] =	vst v63  }
0x11: {  	_ =	swait.ge [sflag:s1], $0x200  }
0x12: {  	s20 =	sld [smem:$0x7FB]  }
0x13: {  	[sflag:s1] =	ssyncset.done $0x0  }
0x14: {  	s3 =	simm.s32 $0x200;
	s21 =	simm.s32 $0x80;
	[sflag:s1] =	ssyncadd.s32 $0xFFFFFE00  }
0x15: {  	[tilespmem:s3], [sflag:$0x2] =	stream.strided.gather [hbm4b:s20+s21], $0x200, s10, s21, $0x38;
	[tilespmem:$0x18400] =	vst v63  }
0x16: {  	_ =	swait.ge [sflag:s1], $0x200  }
0x17: {  	[sflag:s1] =	ssyncset.done $0x0  }
0x18: {  	[sflag:s1] =	ssyncadd.s32 $0xFFFFFE00  }
0x19: {  	s22 =	rddreg [dreg:$0x0]  }
0x1a: {  	[tilespmem:s10], [sflag:$0x1] =	stream.indirect.gather [hbm4b:s22+s21], $0x80, s8, s21, $0xb8;
	[tilespmem:$0x18400] =	vst v63  }
0x1b: {  	s23 =	simm.s32 $0x4400;
	s24 =	simm.s32 $0x1  }
0x1c: {  	[tilespmem:s23], [sflag:$0x1] =	stream.indirect.gather [hbm4b:s22+s21], $0x80, s21, s21, $0xb8;
	[tilespmem:$0x18400] =	vst v63  }
0x1d: {  	_ =	swait.ge [sflag:s24], $0x4000  }
0x1e: {  	[sflag:s24] =	ssyncset.done $0x0  }
0x1f: {  	[sflag:s24] =	ssyncadd.s32 $0xFFFFC000  }
0x20: {  	_ =	swait.ge [sflag:s24], $0x4000  }
0x21: {  	[sflag:s24] =	ssyncset.done $0x0  }
0x22: {  	[sflag:s24] =	ssyncadd.s32 $0xFFFFC000  }
0x23: {  	v2 =	vld [tilespmem:s3+$0x0];
	_ =	sdelay $0x4  }
0x24: {  	v2 =	vshrl.u32 v2, $0x9  }
0x25: {  	(v2sf) =	vpush v2, $0x0;
	_ =	sdelay $0xb  }
0x26: {  	(v2sf) =	vpush v2, $0x1;
	_ =	sdelay $0x2  }
0x27: {  	s25 =	spop (v2sf)  }
0x28: {  	s26 =	simm.s32 $0x0;
	s0 =	sand.u32 $0x60, s25  }
0x29: {  	s0 =	sor.u32 s26, s0  }
0x2a: {  	v3 =	vor.u32 s0, v0;
	_ =	sdelay $0x4  }
0x2b: {  	v4 =	vor.u32 s26, v0;
	s0 =	sor.u32 $0x10, s0;
	v3 =	vld.idx.msk [tilespmem:v3+s10+$0x0], $0xffff  }
0x2c: {  	(v2sf) =	vpush v2, $0x2;
	v5 =	vor.u32 s0, v0;
	_ =	sdelay $0x2  }
0x2d: {  	s28 =	spop (v2sf)  }
0x2e: {  	s29 =	simm.s32 $0x80;
	s0 =	sand.u32 $0x60, s28;
	[tilespmem:v4+s13+$0x0] =	vst.idx.msk $0xffff, v3  }
0x2f: {  	s0 =	sor.u32 s29, s0;
	v4 =	vor.u32 s26, v1;
	v3 =	vld.idx.msk [tilespmem:v5+s10+$0x0], $0xffff  }
0x30: {  	v5 =	vor.u32 s0, v0;
	_ =	sdelay $0x3  }
0x31: {  	[tilespmem:v4+s13+$0x0] =	vst.idx.msk $0xffff, v3  }
0x32: {  	s0 =	sor.u32 $0x10, s0;
	v4 =	vor.u32 s29, v0;
	v3 =	vld.idx.msk [tilespmem:v5+s10+$0x0], $0xffff  }
0x33: {  	(v2sf) =	vpush v2, $0x3;
	v5 =	vor.u32 s0, v0;
	_ =	sdelay $0x2  }
0x34: {  	s30 =	spop (v2sf)  }
0x35: {  	s31 =	simm.s32 $0x100;
	s0 =	sand.u32 $0x60, s30;
	[tilespmem:v4+s13+$0x0] =	vst.idx.msk $0xffff, v3  }
0x36: {  	s0 =	sor.u32 s31, s0;
	v4 =	vor.u32 s29, v1;
	v3 =	vld.idx.msk [tilespmem:v5+s10+$0x0], $0xffff  }
0x37: {  	v5 =	vor.u32 s0, v0;
	_ =	sdelay $0x3  }
0x38: {  	[tilespmem:v4+s13+$0x0] =	vst.idx.msk $0xffff, v3  }
0x39: {  	s0 =	sor.u32 $0x10, s0;
	v4 =	vor.u32 s31, v0;
	v3 =	vld.idx.msk [tilespmem:v5+s10+$0x0], $0xffff  }
0x3a: {  	(v2sf) =	vpush v2, $0x4;
	v5 =	vor.u32 s0, v0;
	_ =	sdelay $0x2  }
0x3b: {  	s2 =	spop (v2sf)  }
0x3c: {  	s4 =	simm.s32 $0x180;
	s0 =	sand.u32 $0x60, s2;
	[tilespmem:v4+s13+$0x0] =	vst.idx.msk $0xffff, v3  }
0x3d: {  	s0 =	sor.u32 s4, s0;
	v4 =	vor.u32 s31, v1;
	v3 =	vld.idx.msk [tilespmem:v5+s10+$0x0], $0xffff  }
0x3e: {  	v5 =	vor.u32 s0, v0;
	_ =	sdelay $0x3  }
0x3f: {  	[tilespmem:v4+s13+$0x0] =	vst.idx.msk $0xffff, v3  }
0x40: {  	s0 =	sor.u32 $0x10, s0;
	v4 =	vor.u32 s4, v0;
	v3 =	vld.idx.msk [tilespmem:v5+s10+$0x0], $0xffff  }
0x41: {  	(v2sf) =	vpush v2, $0x5;
	v5 =	vor.u32 s0, v0;
	_ =	sdelay $0x2  }
0x42: {  	s5 =	spop (v2sf)  }
0x43: {  	s6 =	simm.s32 $0x200;
	s0 =	sand.u32 $0x60, s5;
	[tilespmem:v4+s13+$0x0] =	vst.idx.msk $0xffff, v3  }
0x44: {  	s0 =	sor.u32 s6, s0;
	v4 =	vor.u32 s4, v1;
	v3 =	vld.idx.msk [tilespmem:v5+s10+$0x0], $0xffff  }
0x45: {  	v5 =	vor.u32 s0, v0;
	_ =	sdelay $0x3  }
0x46: {  	[tilespmem:v4+s13+$0x0] =	vst.idx.msk $0xffff, v3  }
0x47: {  	s0 =	sor.u32 $0x10, s0;
	v4 =	vor.u32 s6, v0;
	v3 =	vld.idx.msk [tilespmem:v5+s10+$0x0], $0xffff  }
0x48: {  	(v2sf) =	vpush v2, $0x6;
	v5 =	vor.u32 s0, v0;
	_ =	sdelay $0x2  }
0x49: {  	s7 =	spop (v2sf)  }
0x4a: {  	s8 =	simm.s32 $0x280;
	s0 =	sand.u32 $0x60, s7;
	[tilespmem:v4+s13+$0x0] =	vst.idx.msk $0xffff, v3  }
0x4b: {  	s0 =	sor.u32 s8, s0;
	v4 =	vor.u32 s6, v1;
	v3 =	vld.idx.msk [tilespmem:v5+s10+$0x0], $0xffff  }
0x4c: {  	v5 =	vor.u32 s0, v0;
	_ =	sdelay $0x3  }
0x4d: {  	[tilespmem:v4+s13+$0x0] =	vst.idx.msk $0xffff, v3  }
0x4e: {  	s0 =	sor.u32 $0x10, s0;
	v4 =	vor.u32 s8, v0;
	v3 =	vld.idx.msk [tilespmem:v5+s10+$0x0], $0xffff  }
0x4f: {  	(v2sf) =	vpush v2, $0x7;
	v5 =	vor.u32 s0, v0;
	_ =	sdelay $0x2  }
0x50: {  	s9 =	spop (v2sf)  }
0x51: {  	s11 =	simm.s32 $0x300;
	s0 =	sand.u32 $0x60, s9;
	[tilespmem:v4+s13+$0x0] =	vst.idx.msk $0xffff, v3  }
0x52: {  	s0 =	sor.u32 s11, s0;
	v4 =	vor.u32 s8, v1;
	v3 =	vld.idx.msk [tilespmem:v5+s10+$0x0], $0xffff  }
0x53: {  	v5 =	vor.u32 s0, v0;
	_ =	sdelay $0x3  }
0x54: {  	[tilespmem:v4+s13+$0x0] =	vst.idx.msk $0xffff, v3  }
0x55: {  	s0 =	sor.u32 $0x10, s0;
	v4 =	vor.u32 s11, v0;
	v3 =	vld.idx.msk [tilespmem:v5+s10+$0x0], $0xffff  }
0x56: {  	(v2sf) =	vpush v2, $0x8;
	v5 =	vor.u32 s0, v0;
	_ =	sdelay $0x2  }
0x57: {  	s12 =	spop (v2sf)  }
0x58: {  	s14 =	simm.s32 $0x380;
	s0 =	sand.u32 $0x60, s12;
	[tilespmem:v4+s13+$0x0] =	vst.idx.msk $0xffff, v3  }
0x59: {  	s0 =	sor.u32 s14, s0;
	v4 =	vor.u32 s11, v1;
	v3 =	vld.idx.msk [tilespmem:v5+s10+$0x0], $0xffff  }
0x5a: {  	v5 =	vor.u32 s0, v0;
	_ =	sdelay $0x3  }
0x5b: {  	[tilespmem:v4+s13+$0x0] =	vst.idx.msk $0xffff, v3  }
0x5c: {  	s0 =	sor.u32 $0x10, s0;
	v4 =	vor.u32 s14, v0;
	v3 =	vld.idx.msk [tilespmem:v5+s10+$0x0], $0xffff  }
0x5d: {  	(v2sf) =	vpush v2, $0x9;
	v5 =	vor.u32 s0, v0;
	_ =	sdelay $0x2  }
0x5e: {  	s15 =	spop (v2sf)  }
0x5f: {  	s16 =	simm.s32 $0x400;
	s0 =	sand.u32 $0x60, s15;
	[tilespmem:v4+s13+$0x0] =	vst.idx.msk $0xffff, v3  }
0x60: {  	s0 =	sor.u32 s16, s0;
	v4 =	vor.u32 s14, v1;
	v3 =	vld.idx.msk [tilespmem:v5+s10+$0x0], $0xffff  }
0x61: {  	v5 =	vor.u32 s0, v0;
	_ =	sdelay $0x3  }
0x62: {  	[tilespmem:v4+s13+$0x0] =	vst.idx.msk $0xffff, v3  }
0x63: {  	s0 =	sor.u32 $0x10, s0;
	v4 =	vor.u32 s16, v0;
	v3 =	vld.idx.msk [tilespmem:v5+s10+$0x0], $0xffff  }
0x64: {  	(v2sf) =	vpush v2, $0xA;
	v5 =	vor.u32 s0, v0;
	_ =	sdelay $0x2  }
0x65: {  	s17 =	spop (v2sf)  }
0x66: {  	s18 =	simm.s32 $0x480;
	s0 =	sand.u32 $0x60, s17;
	[tilespmem:v4+s13+$0x0] =	vst.idx.msk $0xffff, v3  }
0x67: {  	s0 =	sor.u32 s18, s0;
	v4 =	vor.u32 s16, v1;
	v3 =	vld.idx.msk [tilespmem:v5+s10+$0x0], $0xffff  }
0x68: {  	v5 =	vor.u32 s0, v0;
	_ =	sdelay $0x3  }
0x69: {  	[tilespmem:v4+s13+$0x0] =	vst.idx.msk $0xffff, v3  }
0x6a: {  	s0 =	sor.u32 $0x10, s0;
	v4 =	vor.u32 s18, v0;
	v3 =	vld.idx.msk [tilespmem:v5+s10+$0x0], $0xffff  }
0x6b: {  	(v2sf) =	vpush v2, $0xB;
	v5 =	vor.u32 s0, v0;
	_ =	sdelay $0x2  }
0x6c: {  	s19 =	spop (v2sf)  }
0x6d: {  	s20 =	simm.s32 $0x500;
	s0 =	sand.u32 $0x60, s19;
	[tilespmem:v4+s13+$0x0] =	vst.idx.msk $0xffff, v3  }
0x6e: {  	s0 =	sor.u32 s20, s0;
	v4 =	vor.u32 s18, v1;
	v3 =	vld.idx.msk [tilespmem:v5+s10+$0x0], $0xffff  }
0x6f: {  	v5 =	vor.u32 s0, v0;
	_ =	sdelay $0x3  }
0x70: {  	[tilespmem:v4+s13+$0x0] =	vst.idx.msk $0xffff, v3  }
0x71: {  	s0 =	sor.u32 $0x10, s0;
	v4 =	vor.u32 s20, v0;
	v3 =	vld.idx.msk [tilespmem:v5+s10+$0x0], $0xffff  }
0x72: {  	(v2sf) =	vpush v2, $0xC;
	v5 =	vor.u32 s0, v0;
	_ =	sdelay $0x2  }
0x73: {  	s21 =	spop (v2sf)  }
0x74: {  	s22 =	simm.s32 $0x580;
	s0 =	sand.u32 $0x60, s21;
	[tilespmem:v4+s13+$0x0] =	vst.idx.msk $0xffff, v3  }
0x75: {  	s0 =	sor.u32 s22, s0;
	v4 =	vor.u32 s20, v1;
	v3 =	vld.idx.msk [tilespmem:v5+s10+$0x0], $0xffff  }
0x76: {  	v5 =	vor.u32 s0, v0;
	_ =	sdelay $0x3  }
0x77: {  	[tilespmem:v4+s13+$0x0] =	vst.idx.msk $0xffff, v3  }
0x78: {  	s0 =	sor.u32 $0x10, s0;
	v4 =	vor.u32 s22, v0;
	v3 =	vld.idx.msk [tilespmem:v5+s10+$0x0], $0xffff  }
0x79: {  	(v2sf) =	vpush v2, $0xD;
	v5 =	vor.u32 s0, v0;
	_ =	sdelay $0x2  }
0x7a: {  	s23 =	spop (v2sf)  }
0x7b: {  	s24 =	simm.s32 $0x600;
	s0 =	sand.u32 $0x60, s23;
	[tilespmem:v4+s13+$0x0] =	vst.idx.msk $0xffff, v3  }
0x7c: {  	s0 =	sor.u32 s24, s0;
	v4 =	vor.u32 s22, v1;
	v3 =	vld.idx.msk [tilespmem:v5+s10+$0x0], $0xffff  }
0x7d: {  	v5 =	vor.u32 s0, v0;
	_ =	sdelay $0x3  }
0x7e: {  	[tilespmem:v4+s13+$0x0] =	vst.idx.msk $0xffff, v3  }
0x7f: {  	s0 =	sor.u32 $0x10, s0;
	v4 =	vor.u32 s24, v0;
	v3 =	vld.idx.msk [tilespmem:v5+s10+$0x0], $0xffff  }
0x80: {  	(v2sf) =	vpush v2, $0xE;
	v5 =	vor.u32 s0, v0;
	_ =	sdelay $0x2  }
0x81: {  	s25 =	spop (v2sf)  }
0x82: {  	s26 =	simm.s32 $0x680;
	s0 =	sand.u32 $0x60, s25;
	[tilespmem:v4+s13+$0x0] =	vst.idx.msk $0xffff, v3  }
0x83: {  	s0 =	sor.u32 s26, s0;
	v4 =	vor.u32 s24, v1;
	v3 =	vld.idx.msk [tilespmem:v5+s10+$0x0], $0xffff  }
0x84: {  	v5 =	vor.u32 s0, v0;
	_ =	sdelay $0x3  }
0x85: {  	[tilespmem:v4+s13+$0x0] =	vst.idx.msk $0xffff, v3  }
0x86: {  	s0 =	sor.u32 $0x10, s0;
	v4 =	vor.u32 s26, v0;
	v3 =	vld.idx.msk [tilespmem:v5+s10+$0x0], $0xffff  }
0x87: {  	(v2sf) =	vpush v2, $0xF;
	v2 =	vor.u32 s0, v0;
	_ =	sdelay $0x2  }
0x88: {  	s28 =	spop (v2sf)  }
0x89: {  	s29 =	simm.s32 $0x700;
	s0 =	sand.u32 $0x60, s28;
	[tilespmem:v4+s13+$0x0] =	vst.idx.msk $0xffff, v3  }
0x8a: {  	s0 =	sor.u32 s29, s0;
	v3 =	vor.u32 s26, v1;
	v2 =	vld.idx.msk [tilespmem:v2+s10+$0x0], $0xffff  }
0x8b: {  	v4 =	vor.u32 s0, v0;
	_ =	sdelay $0x3  }
0x8c: {  	[tilespmem:v3+s13+$0x0] =	vst.idx.msk $0xffff, v2  }
0x8d: {  	s0 =	sor.u32 $0x10, s0;
	v3 =	vor.u32 s29, v0;
	v2 =	vld.idx.msk [tilespmem:v4+s10+$0x0], $0xffff  }
0x8e: {  	v4 =	vor.u32 s0, v0;
	_ =	sdelay $0x2  }
0x8f: {  	s30 =	spop (v2sf)  }
0x90: {  	s31 =	simm.s32 $0x780;
	s0 =	sand.u32 $0x60, s30;
	[tilespmem:v3+s13+$0x0] =	vst.idx.msk $0xffff, v2  }
0x91: {  	s0 =	sor.u32 s31, s0;
	v2 =	vor.u32 s29, v1;
	v3 =	vld.idx.msk [tilespmem:v4+s10+$0x0], $0xffff  }
0x92: {  	v4 =	vor.u32 s0, v0;
	_ =	sdelay $0x3  }
0x93: {  	[tilespmem:v2+s13+$0x0] =	vst.idx.msk $0xffff, v3  }
0x94: {  	s0 =	sor.u32 $0x10, s0;
	v3 =	vor.u32 s31, v0;
	v2 =	vld.idx.msk [tilespmem:v4+s10+$0x0], $0xffff  }
0x95: {  	v4 =	vor.u32 s0, v0;
	_ =	sdelay $0x3  }
0x96: {  	[tilespmem:v3+s13+$0x0] =	vst.idx.msk $0xffff, v2  }
0x97: {  	s25 =	simm.s32 $0x1F;
	v2 =	vor.u32 s31, v1;
	v3 =	vld.idx.msk [tilespmem:v4+s10+$0x0], $0xffff  }
.LBB2_2:
0x98: {  	_ =	sdelay $0x3  }
0x99: {  	s3 =	sadd.s32 $0x10, s3;
	[tilespmem:v2+s13+$0x0] =	vst.idx.msk $0xffff, v3  }
0x9a: {  	v2 =	vld [tilespmem:s3+$0x0];
	_ =	sdelay $0x4  }
0x9b: {  	v2 =	vshrl.u32 v2, $0x9  }
0x9c: {  	(v2sf) =	vpush v2, $0x0;
	_ =	sdelay $0x7  }
0x9d: {  	(v2sf) =	vpush v2, $0x1  }
0x9e: {  	(v2sf) =	vpush v2, $0x2  }
0x9f: {  	(v2sf) =	vpush v2, $0x3  }
0xa0: {  	(v2sf) =	vpush v2, $0x4  }
0xa1: {  	(v2sf) =	vpush v2, $0x5  }
0xa2: {  	(v2sf) =	vpush v2, $0x6  }
0xa3: {  	s0 =	smov.u32 s25;
	(v2sf) =	vpush v2, $0x7  }
0xa4: {  	s19 =	sshll.u32 s0, $0x7;
	s24 =	spop (v2sf)  }
0xa5: {  	s1 =	sadd.s32 $0xFFFFF880, s19;
	s0 =	sand.u32 $0x60, s24  }
0xa6: {  	s0 =	sor.u32 s1, s0  }
0xa7: {  	v3 =	vor.u32 s0, v0;
	_ =	sdelay $0x3  }
0xa8: {  	(v2sf) =	vpush v2, $0x8  }
0xa9: {  	v4 =	vor.u32 s1, v0;
	(v2sf) =	vpush v2, $0x9;
	s26 =	spop (v2sf);
	s5 =	sor.u32 $0x10, s0;
	v3 =	vld.idx.msk [tilespmem:v3+s10+$0x0], $0xffff  }
0xaa: {  	(v2sf) =	vpush v2, $0xA;
	s4 =	spop (v2sf);
	v5 =	vor.u32 s5, v0  }
0xab: {  	(v2sf) =	vpush v2, $0xB;
	s29 =	spop (v2sf)  }
0xac: {  	s30 =	spop (v2sf);
	(v2sf) =	vpush v2, $0xC  }
0xad: {  	[dreg:$0x5] =	wrdreg s3;
	s12 =	sadd.s32 $0xFFFFF900, s19;
	s8 =	spop (v2sf);
	(v2sf) =	vpush v2, $0xD  }
0xae: {  	s3 =	sand.u32 $0x60, s26;
	s31 =	sand.u32 $0x60, s8;
	s8 =	spop (v2sf);
	(v2sf) =	vpush v2, $0xE;
	[tilespmem:v4+s13+$0x0] =	vst.idx.msk $0xffff, v3  }
0xaf: {  	s7 =	sor.u32 s12, s3;
	s14 =	spop (v2sf);
	(v2sf) =	vpush v2, $0xF;
	v3 =	vor.u32 s1, v1;
	v2 =	vld.idx.msk [tilespmem:v5+s10+$0x0], $0xffff  }
0xb0: {  	v4 =	vor.u32 s7, v0;
	_ =	sdelay $0x3  }
0xb1: {  	[tilespmem:v3+s13+$0x0] =	vst.idx.msk $0xffff, v2  }
0xb2: {  	s21 =	sor.u32 $0x10, s7;
	v3 =	vor.u32 s12, v0;
	v2 =	vld.idx.msk [tilespmem:v4+s10+$0x0], $0xffff  }
0xb3: {  	v4 =	vor.u32 s21, v0;
	_ =	sdelay $0x3  }
0xb4: {  	s2 =	sadd.s32 $0xFFFFF980, s19;
	s28 =	sand.u32 $0x60, s4;
	[tilespmem:v3+s13+$0x0] =	vst.idx.msk $0xffff, v2  }
0xb5: {  	s0 =	sor.u32 s2, s28;
	v3 =	vor.u32 s12, v1;
	v2 =	vld.idx.msk [tilespmem:v4+s10+$0x0], $0xffff  }
0xb6: {  	v4 =	vor.u32 s0, v0;
	_ =	sdelay $0x3  }
0xb7: {  	[tilespmem:v3+s13+$0x0] =	vst.idx.msk $0xffff, v2  }
0xb8: {  	s4 =	sor.u32 $0x10, s0;
	v3 =	vor.u32 s2, v0;
	v2 =	vld.idx.msk [tilespmem:v4+s10+$0x0], $0xffff  }
0xb9: {  	v4 =	vor.u32 s4, v0;
	_ =	sdelay $0x3  }
0xba: {  	s6 =	sand.u32 $0x60, s29;
	s4 =	sadd.s32 $0xFFFFFA00, s19;
	[tilespmem:v3+s13+$0x0] =	vst.idx.msk $0xffff, v2  }
0xbb: {  	s12 =	sor.u32 s4, s6;
	v3 =	vor.u32 s2, v1;
	v2 =	vld.idx.msk [tilespmem:v4+s10+$0x0], $0xffff  }
0xbc: {  	v4 =	vor.u32 s12, v0;
	_ =	sdelay $0x3  }
0xbd: {  	[tilespmem:v3+s13+$0x0] =	vst.idx.msk $0xffff, v2  }
0xbe: {  	s2 =	sor.u32 $0x10, s12;
	v3 =	vor.u32 s4, v0;
	v2 =	vld.idx.msk [tilespmem:v4+s10+$0x0], $0xffff  }
0xbf: {  	v4 =	vor.u32 s2, v0;
	_ =	sdelay $0x3  }
0xc0: {  	s3 =	sand.u32 $0x60, s30;
	s30 =	sadd.s32 $0xFFFFFA80, s19;
	[tilespmem:v3+s13+$0x0] =	vst.idx.msk $0xffff, v2  }
0xc1: {  	s22 =	sor.u32 s30, s3;
	v3 =	vor.u32 s4, v1;
	v2 =	vld.idx.msk [tilespmem:v4+s10+$0x0], $0xffff  }
0xc2: {  	v4 =	vor.u32 s22, v0;
	_ =	sdelay $0x3  }
0xc3: {  	[tilespmem:v3+s13+$0x0] =	vst.idx.msk $0xffff, v2  }
0xc4: {  	s23 =	sor.u32 $0x10, s22;
	v3 =	vor.u32 s30, v0;
	v2 =	vld.idx.msk [tilespmem:v4+s10+$0x0], $0xffff  }
0xc5: {  	v4 =	vor.u32 s23, v0;
	_ =	sdelay $0x3  }
0xc6: {  	s17 =	sadd.s32 $0xFFFFFB00, s19;
	[tilespmem:v3+s13+$0x0] =	vst.idx.msk $0xffff, v2  }
0xc7: {  	s11 =	sor.u32 s17, s31;
	v3 =	vor.u32 s30, v1;
	v2 =	vld.idx.msk [tilespmem:v4+s10+$0x0], $0xffff  }
0xc8: {  	v4 =	vor.u32 s11, v0  }
0xc9: {  	s9 =	sor.u32 $0x10, s11  }
0xca: {  	[smem:$0x7F7] =	sst s9  }
0xcb: {  	s4 =	sld [smem:$0x7F7]  }
0xcc: {  	[tilespmem:v3+s13+$0x0] =	vst.idx.msk $0xffff, v2  }
0xcd: {  	v3 =	vor.u32 s17, v0;
	v2 =	vld.idx.msk [tilespmem:v4+s10+$0x0], $0xffff  }
0xce: {  	v4 =	vor.u32 s4, v0;
	_ =	sdelay $0x3  }
0xcf: {  	s3 =	sand.u32 $0x60, s8;
	s8 =	sadd.s32 $0xFFFFFB80, s19;
	[tilespmem:v3+s13+$0x0] =	vst.idx.msk $0xffff, v2  }
0xd0: {  	s20 =	sor.u32 s8, s3;
	v3 =	vor.u32 s17, v1;
	v2 =	vld.idx.msk [tilespmem:v4+s10+$0x0], $0xffff  }
0xd1: {  	v4 =	vor.u32 s20, v0  }
0xd2: {  	s15 =	sor.u32 $0x10, s20  }
0xd3: {  	[smem:$0x7F8] =	sst s15  }
0xd4: {  	s6 =	sld [smem:$0x7F8]  }
0xd5: {  	[tilespmem:v3+s13+$0x0] =	vst.idx.msk $0xffff, v2  }
0xd6: {  	v3 =	vor.u32 s8, v0;
	v2 =	vld.idx.msk [tilespmem:v4+s10+$0x0], $0xffff  }
0xd7: {  	v4 =	vor.u32 s6, v0;
	_ =	sdelay $0x3  }
0xd8: {  	s16 =	sand.u32 $0x60, s14;
	s3 =	sadd.s32 $0xFFFFFC00, s19;
	[tilespmem:v3+s13+$0x0] =	vst.idx.msk $0xffff, v2  }
0xd9: {  	s16 =	sor.u32 s3, s16;
	v3 =	vor.u32 s8, v1;
	v2 =	vld.idx.msk [tilespmem:v4+s10+$0x0], $0xffff  }
0xda: {  	v4 =	vor.u32 s16, v0;
	_ =	sdelay $0x2  }
0xdb: {  	s9 =	sor.u32 $0x10, s16  }
0xdc: {  	[dreg:$0x1f] =	wrdreg s9;
	[tilespmem:v3+s13+$0x0] =	vst.idx.msk $0xffff, v2  }
0xdd: {  	s11 =	rddreg [dreg:$0x1f];
	v3 =	vor.u32 s3, v0;
	v2 =	vld.idx.msk [tilespmem:v4+s10+$0x0], $0xffff  }
0xde: {  	v4 =	vor.u32 s11, v0;
	_ =	sdelay $0x2  }
0xdf: {  	s18 =	spop (v2sf)  }
0xe0: {  	s5 =	sadd.s32 $0xFFFFFC80, s19;
	s24 =	sand.u32 $0x60, s18;
	[tilespmem:v3+s13+$0x0] =	vst.idx.msk $0xffff, v2  }
0xe1: {  	s9 =	sor.u32 s5, s24;
	v3 =	vor.u32 s3, v1;
	v2 =	vld.idx.msk [tilespmem:v4+s10+$0x0], $0xffff  }
0xe2: {  	v4 =	vor.u32 s9, v0;
	_ =	sdelay $0x2  }
0xe3: {  	s26 =	sor.u32 $0x10, s9  }
0xe4: {  	[dreg:$0x1d] =	wrdreg s26;
	[tilespmem:v3+s13+$0x0] =	vst.idx.msk $0xffff, v2  }
0xe5: {  	s12 =	rddreg [dreg:$0x1d];
	v3 =	vor.u32 s5, v0;
	v2 =	vld.idx.msk [tilespmem:v4+s10+$0x0], $0xffff  }
0xe6: {  	v4 =	vor.u32 s12, v0;
	_ =	sdelay $0x2  }
0xe7: {  	s14 =	spop (v2sf)  }
0xe8: {  	s28 =	sand.u32 $0x60, s14;
	s15 =	sadd.s32 $0xFFFFFD00, s19;
	[tilespmem:v3+s13+$0x0] =	vst.idx.msk $0xffff, v2  }
0xe9: {  	s7 =	sor.u32 s15, s28;
	v3 =	vor.u32 s5, v1;
	v2 =	vld.idx.msk [tilespmem:v4+s10+$0x0], $0xffff  }
0xea: {  	v4 =	vor.u32 s7, v0;
	_ =	sdelay $0x2  }
0xeb: {  	s31 =	sor.u32 $0x10, s7  }
0xec: {  	[dreg:$0x1a] =	wrdreg s31;
	[tilespmem:v3+s13+$0x0] =	vst.idx.msk $0xffff, v2  }
0xed: {  	s16 =	rddreg [dreg:$0x1a];
	v3 =	vor.u32 s15, v0;
	v2 =	vld.idx.msk [tilespmem:v4+s10+$0x0], $0xffff  }
0xee: {  	v4 =	vor.u32 s16, v0;
	_ =	sdelay $0x2  }
0xef: {  	s29 =	spop (v2sf)  }
0xf0: {  	s1 =	sadd.s32 $0xFFFFFD80, s19;
	s18 =	sand.u32 $0x60, s29;
	[tilespmem:v3+s13+$0x0] =	vst.idx.msk $0xffff, v2  }
0xf1: {  	s14 =	sor.u32 s1, s18;
	v3 =	vor.u32 s15, v1;
	v2 =	vld.idx.msk [tilespmem:v4+s10+$0x0], $0xffff  }
0xf2: {  	v4 =	vor.u32 s14, v0;
	_ =	sdelay $0x2  }
0xf3: {  	s18 =	sor.u32 $0x10, s14  }
0xf4: {  	[dreg:$0x17] =	wrdreg s18;
	[tilespmem:v3+s13+$0x0] =	vst.idx.msk $0xffff, v2  }
0xf5: {  	s17 =	rddreg [dreg:$0x17];
	v3 =	vor.u32 s1, v0;
	v2 =	vld.idx.msk [tilespmem:v4+s10+$0x0], $0xffff  }
0xf6: {  	v4 =	vor.u32 s17, v0  }
0xf7: {  	s24 =	spop (v2sf)  }
0xf8: {  	s29 =	sadd.s32 $0xFFFFFE00, s19;
	s24 =	sand.u32 $0x60, s24  }
0xf9: {  	s24 =	sor.u32 s29, s24  }
0xfa: {  	[dreg:$0x16] =	wrdreg s24;
	[tilespmem:v3+s13+$0x0] =	vst.idx.msk $0xffff, v2  }
0xfb: {  	s20 =	rddreg [dreg:$0x16];
	v3 =	vor.u32 s1, v1;
	v2 =	vld.idx.msk [tilespmem:v4+s10+$0x0], $0xffff  }
0xfc: {  	v4 =	vor.u32 s20, v0;
	_ =	sdelay $0x2  }
0xfd: {  	s18 =	sor.u32 $0x10, s24  }
0xfe: {  	[dreg:$0x13] =	wrdreg s18;
	[tilespmem:v3+s13+$0x0] =	vst.idx.msk $0xffff, v2  }
0xff: {  	s22 =	rddreg [dreg:$0x13];
	v3 =	vor.u32 s29, v0;
	v2 =	vld.idx.msk [tilespmem:v4+s10+$0x0], $0xffff  }
0x100: {  	v4 =	vor.u32 s22, v0  }
0x101: {  	s26 =	spop (v2sf)  }
0x102: {  	s24 =	sand.u32 $0x60, s26;
	s26 =	sadd.s32 $0xFFFFFE80, s19  }
0x103: {  	s28 =	sor.u32 s26, s24  }
0x104: {  	[dreg:$0x12] =	wrdreg s28;
	[tilespmem:v3+s13+$0x0] =	vst.idx.msk $0xffff, v2  }
0x105: {  	s23 =	rddreg [dreg:$0x12];
	v3 =	vor.u32 s29, v1;
	v2 =	vld.idx.msk [tilespmem:v4+s10+$0x0], $0xffff  }
0x106: {  	v4 =	vor.u32 s23, v0;
	_ =	sdelay $0x2  }
0x107: {  	s18 =	sor.u32 $0x10, s28  }
0x108: {  	[dreg:$0xf] =	wrdreg s18;
	[tilespmem:v3+s13+$0x0] =	vst.idx.msk $0xffff, v2  }
0x109: {  	s29 =	rddreg [dreg:$0xf];
	v3 =	vor.u32 s26, v0;
	v2 =	vld.idx.msk [tilespmem:v4+s10+$0x0], $0xffff  }
0x10a: {  	v4 =	vor.u32 s29, v0  }
0x10b: {  	s31 =	spop (v2sf)  }
0x10c: {  	s24 =	sadd.s32 $0xFFFFFF00, s19;
	s18 =	sand.u32 $0x60, s31  }
0x10d: {  	s21 =	sor.u32 s24, s18  }
0x10e: {  	[dreg:$0xd] =	wrdreg s21;
	[tilespmem:v3+s13+$0x0] =	vst.idx.msk $0xffff, v2  }
0x10f: {  	s30 =	rddreg [dreg:$0xd];
	v3 =	vor.u32 s26, v1;
	v2 =	vld.idx.msk [tilespmem:v4+s10+$0x0], $0xffff  }
0x110: {  	v4 =	vor.u32 s30, v0;
	_ =	sdelay $0x3  }
0x111: {  	[tilespmem:v3+s13+$0x0] =	vst.idx.msk $0xffff, v2  }
0x112: {  	s0 =	sor.u32 $0x10, s30;
	v3 =	vor.u32 s24, v0;
	v2 =	vld.idx.msk [tilespmem:v4+s10+$0x0], $0xffff  }
0x113: {  	v4 =	vor.u32 s0, v0;
	_ =	sdelay $0x2  }
0x114: {  	s28 =	spop (v2sf)  }
0x115: {  	s31 =	sand.u32 $0x60, s28;
	s21 =	sadd.s32 $0xFFFFFF80, s19;
	[tilespmem:v3+s13+$0x0] =	vst.idx.msk $0xffff, v2  }
0x116: {  	s31 =	sor.u32 s21, s31;
	v3 =	vor.u32 s24, v1;
	v2 =	vld.idx.msk [tilespmem:v4+s10+$0x0], $0xffff  }
0x117: {  	v4 =	vor.u32 s31, v0;
	_ =	sdelay $0x1  }
0x118: {  	s28 =	spop (v2sf)  }
0x119: {  	s18 =	sand.u32 $0x60, s28;
	s28 =	sor.u32 $0x10, s31  }
0x11a: {  	[dreg:$0x7] =	wrdreg s28;
	[tilespmem:v3+s13+$0x0] =	vst.idx.msk $0xffff, v2  }
0x11b: {  	s31 =	rddreg [dreg:$0x7];
	v3 =	vor.u32 s21, v0;
	v2 =	vld.idx.msk [tilespmem:v4+s10+$0x0], $0xffff  }
0x11c: {  	v4 =	vor.u32 s31, v0;
	_ =	sdelay $0x3  }
0x11d: {  	[tilespmem:v3+s13+$0x0] =	vst.idx.msk $0xffff, v2  }
0x11e: {  	s28 =	sor.u32 s19, s18;
	v3 =	vor.u32 s21, v1;
	v2 =	vld.idx.msk [tilespmem:v4+s10+$0x0], $0xffff  }
0x11f: {  	v4 =	vor.u32 s28, v0;
	_ =	sdelay $0x3  }
0x120: {  	[tilespmem:v3+s13+$0x0] =	vst.idx.msk $0xffff, v2  }
0x121: {  	s18 =	sor.u32 $0x10, s28;
	v3 =	vor.u32 s19, v0;
	v2 =	vld.idx.msk [tilespmem:v4+s10+$0x0], $0xffff  }
0x122: {  	p0 =	sne.s32 s25, $0xFF;
	v4 =	vor.u32 s18, v0  }
.Ltmp0:
0x123: {  	_ = 	snop;
	(pc) =	sbr.rel @p0 .LBB2_2-.Ltmp0, $3  }
0x124: {  	_ =	sdelay $0x1  }
0x125: {  	[tilespmem:v3+s13+$0x0] =	vst.idx.msk $0xffff, v2  }
0x126: {  	s25 =	sadd.s32 $0x10, s25;
	s3 =	rddreg [dreg:$0x5];
	v2 =	vor.u32 s19, v1;
	v3 =	vld.idx.msk [tilespmem:v4+s10+$0x0], $0xffff  }
0x127: {  	_ =	sdelay $0x3  }
0x128: {  	s0 =	rddreg [dreg:$0x0];
	s1 =	simm.s32 $0x80;
	s2 =	simm.s32 $0x100;
	[tilespmem:v2+s13+$0x0] =	vst.idx.msk $0xffff, v3  }
0x129: {  	[tilespmem:s10], [sflag:$0x1] =	stream.indirect.gather [hbm4b:s0+s1], $0x80, s2, s1, $0xb8;
	[tilespmem:$0x18400] =	vst v63  }
0x12a: {  	s29 =	simm.s32 $0x4400;
	s3 =	simm.s32 $0x180;
	s30 =	simm.s32 $0x1  }
0x12b: {  	[tilespmem:s29], [sflag:$0x1] =	stream.indirect.gather [hbm4b:s0+s1], $0x80, s3, s1, $0xb8;
	[tilespmem:$0x18400] =	vst v63  }
0x12c: {  	_ =	swait.ge [sflag:s30], $0x4000  }
0x12d: {  	[sflag:s30] =	ssyncset.done $0x0  }
0x12e: {  	[sflag:s30] =	ssyncadd.s32 $0xFFFFC000  }
0x12f: {  	s31 =	simm.s32 $0x0;
	s3 =	simm.s32 $0x100;
	_ =	swait.ge [sflag:s30], $0x4000  }
0x130: {  	s0 =	sand.u32 $0x70, s31;
	s1 =	sand.u32 $0x180, s3;
	[sflag:s30] =	ssyncset.done $0x0  }
0x131: {  	s0 =	sor.u32 s0, s1;
	[sflag:s30] =	ssyncadd.s32 $0xFFFFC000  }
0x132: {  	v2 =	vld [tilespmem:s0+$0x200];
	_ =	sdelay $0x4  }
0x133: {  	v2 =	vshrl.u32 v2, $0x9  }
0x134: {  	(v2sf) =	vpush v2, $0x0;
	_ =	sdelay $0xa  }
0x135: {  	(v2sf) =	vpush v2, $0x1;
	_ =	sdelay $0x3  }
0x136: {  	s4 =	spop (v2sf)  }
0x137: {  	s5 =	simm.s32 $0x0;
	s0 =	sand.u32 $0x60, s4  }
0x138: {  	s0 =	sor.u32 s5, s0  }
0x139: {  	v3 =	vor.u32 s0, v0;
	_ =	sdelay $0x3  }
0x13a: {  	s6 =	simm.s32 $0x8000  }
0x13b: {  	v4 =	vor.u32 s6, v0;
	(v2sf) =	vpush v2, $0x2;
	s0 =	sor.u32 $0x10, s0;
	v3 =	vld.idx.msk [tilespmem:v3+s10+$0x0], $0xffff  }
0x13c: {  	v5 =	vor.u32 s0, v0;
	_ =	sdelay $0x1  }
0x13d: {  	s7 =	spop (v2sf)  }
0x13e: {  	s2 =	sand.u32 $0x60, s7;
	s0 =	simm.s32 $0x8780  }
0x13f: {  	s2 =	sor.u32 s2, s0;
	[tilespmem:v4+s13+$0x0] =	vst.idx.msk $0xffff, v3  }
0x140: {  	s8 =	sadd.s32 $0xFFFF7900, s2;
	v4 =	vor.u32 s6, v1;
	v3 =	vld.idx.msk [tilespmem:v5+s10+$0x0], $0xffff  }
0x141: {  	v5 =	vor.u32 s8, v0;
	_ =	sdelay $0x3  }
0x142: {  	s9 =	simm.s32 $0x8080;
	[tilespmem:v4+s13+$0x0] =	vst.idx.msk $0xffff, v3  }
0x143: {  	(v2sf) =	vpush v2, $0x3;
	s2 =	sadd.s32 $0xFFFF7910, s2;
	v4 =	vor.u32 s9, v0;
	v3 =	vld.idx.msk [tilespmem:v5+s10+$0x0], $0xffff  }
0x144: {  	v5 =	vor.u32 s2, v0;
	_ =	sdelay $0x1  }
0x145: {  	s11 =	spop (v2sf)  }
0x146: {  	s2 =	sand.u32 $0x60, s11  }
0x147: {  	s2 =	sor.u32 s2, s0;
	[tilespmem:v4+s13+$0x0] =	vst.idx.msk $0xffff, v3  }
0x148: {  	s12 =	sadd.s32 $0xFFFF7980, s2;
	v4 =	vor.u32 s9, v1;
	v3 =	vld.idx.msk [tilespmem:v5+s10+$0x0], $0xffff  }
0x149: {  	v5 =	vor.u32 s12, v0;
	_ =	sdelay $0x3  }
0x14a: {  	s14 =	simm.s32 $0x8100;
	[tilespmem:v4+s13+$0x0] =	vst.idx.msk $0xffff, v3  }
0x14b: {  	(v2sf) =	vpush v2, $0x4;
	s2 =	sadd.s32 $0xFFFF7990, s2;
	v4 =	vor.u32 s14, v0;
	v3 =	vld.idx.msk [tilespmem:v5+s10+$0x0], $0xffff  }
0x14c: {  	v5 =	vor.u32 s2, v0;
	_ =	sdelay $0x1  }
0x14d: {  	s15 =	spop (v2sf)  }
0x14e: {  	s2 =	sand.u32 $0x60, s15  }
0x14f: {  	s2 =	sor.u32 s2, s0;
	[tilespmem:v4+s13+$0x0] =	vst.idx.msk $0xffff, v3  }
0x150: {  	s16 =	sadd.s32 $0xFFFF7A00, s2;
	v4 =	vor.u32 s14, v1;
	v3 =	vld.idx.msk [tilespmem:v5+s10+$0x0], $0xffff  }
0x151: {  	v5 =	vor.u32 s16, v0;
	_ =	sdelay $0x3  }
0x152: {  	s17 =	simm.s32 $0x8180;
	[tilespmem:v4+s13+$0x0] =	vst.idx.msk $0xffff, v3  }
0x153: {  	(v2sf) =	vpush v2, $0x5;
	s2 =	sadd.s32 $0xFFFF7A10, s2;
	v4 =	vor.u32 s17, v0;
	v3 =	vld.idx.msk [tilespmem:v5+s10+$0x0], $0xffff  }
0x154: {  	v5 =	vor.u32 s2, v0;
	_ =	sdelay $0x1  }
0x155: {  	s18 =	spop (v2sf)  }
0x156: {  	s2 =	sand.u32 $0x60, s18  }
0x157: {  	s2 =	sor.u32 s2, s0;
	[tilespmem:v4+s13+$0x0] =	vst.idx.msk $0xffff, v3  }
0x158: {  	s19 =	sadd.s32 $0xFFFF7A80, s2;
	v4 =	vor.u32 s17, v1;
	v3 =	vld.idx.msk [tilespmem:v5+s10+$0x0], $0xffff  }
0x159: {  	v5 =	vor.u32 s19, v0;
	_ =	sdelay $0x3  }
0x15a: {  	s20 =	simm.s32 $0x8200;
	[tilespmem:v4+s13+$0x0] =	vst.idx.msk $0xffff, v3  }
0x15b: {  	(v2sf) =	vpush v2, $0x6;
	s2 =	sadd.s32 $0xFFFF7A90, s2;
	v4 =	vor.u32 s20, v0;
	v3 =	vld.idx.msk [tilespmem:v5+s10+$0x0], $0xffff  }
0x15c: {  	v5 =	vor.u32 s2, v0;
	_ =	sdelay $0x1  }
0x15d: {  	s21 =	spop (v2sf)  }
0x15e: {  	s2 =	sand.u32 $0x60, s21  }
0x15f: {  	s2 =	sor.u32 s2, s0;
	[tilespmem:v4+s13+$0x0] =	vst.idx.msk $0xffff, v3  }
0x160: {  	s22 =	sadd.s32 $0xFFFF7B00, s2;
	v4 =	vor.u32 s20, v1;
	v3 =	vld.idx.msk [tilespmem:v5+s10+$0x0], $0xffff  }
0x161: {  	v5 =	vor.u32 s22, v0;
	_ =	sdelay $0x3  }
0x162: {  	s23 =	simm.s32 $0x8280;
	[tilespmem:v4+s13+$0x0] =	vst.idx.msk $0xffff, v3  }
0x163: {  	(v2sf) =	vpush v2, $0x7;
	s2 =	sadd.s32 $0xFFFF7B10, s2;
	v4 =	vor.u32 s23, v0;
	v3 =	vld.idx.msk [tilespmem:v5+s10+$0x0], $0xffff  }
0x164: {  	v5 =	vor.u32 s2, v0;
	_ =	sdelay $0x1  }
0x165: {  	s24 =	spop (v2sf)  }
0x166: {  	s2 =	sand.u32 $0x60, s24  }
0x167: {  	s2 =	sor.u32 s2, s0;
	[tilespmem:v4+s13+$0x0] =	vst.idx.msk $0xffff, v3  }
0x168: {  	s25 =	sadd.s32 $0xFFFF7B80, s2;
	v4 =	vor.u32 s23, v1;
	v3 =	vld.idx.msk [tilespmem:v5+s10+$0x0], $0xffff  }
0x169: {  	v5 =	vor.u32 s25, v0;
	_ =	sdelay $0x3  }
0x16a: {  	s26 =	simm.s32 $0x8300;
	[tilespmem:v4+s13+$0x0] =	vst.idx.msk $0xffff, v3  }
0x16b: {  	(v2sf) =	vpush v2, $0x8;
	s2 =	sadd.s32 $0xFFFF7B90, s2;
	v4 =	vor.u32 s26, v0;
	v3 =	vld.idx.msk [tilespmem:v5+s10+$0x0], $0xffff  }
0x16c: {  	v5 =	vor.u32 s2, v0;
	_ =	sdelay $0x1  }
0x16d: {  	s29 =	spop (v2sf)  }
0x16e: {  	s2 =	sand.u32 $0x60, s29  }
0x16f: {  	s2 =	sor.u32 s2, s0;
	[tilespmem:v4+s13+$0x0] =	vst.idx.msk $0xffff, v3  }
0x170: {  	s30 =	sadd.s32 $0xFFFF7C00, s2;
	v4 =	vor.u32 s26, v1;
	v3 =	vld.idx.msk [tilespmem:v5+s10+$0x0], $0xffff  }
0x171: {  	v5 =	vor.u32 s30, v0;
	_ =	sdelay $0x3  }
0x172: {  	s31 =	simm.s32 $0x8380;
	[tilespmem:v4+s13+$0x0] =	vst.idx.msk $0xffff, v3  }
0x173: {  	(v2sf) =	vpush v2, $0x9;
	s2 =	sadd.s32 $0xFFFF7C10, s2;
	v4 =	vor.u32 s31, v0;
	v3 =	vld.idx.msk [tilespmem:v5+s10+$0x0], $0xffff  }
0x174: {  	v5 =	vor.u32 s2, v0;
	_ =	sdelay $0x1  }
0x175: {  	s3 =	spop (v2sf)  }
0x176: {  	s2 =	sand.u32 $0x60, s3  }
0x177: {  	s2 =	sor.u32 s2, s0;
	[tilespmem:v4+s13+$0x0] =	vst.idx.msk $0xffff, v3  }
0x178: {  	s4 =	sadd.s32 $0xFFFF7C80, s2;
	v4 =	vor.u32 s31, v1;
	v3 =	vld.idx.msk [tilespmem:v5+s10+$0x0], $0xffff  }
0x179: {  	v5 =	vor.u32 s4, v0;
	_ =	sdelay $0x3  }
0x17a: {  	s5 =	simm.s32 $0x8400;
	[tilespmem:v4+s13+$0x0] =	vst.idx.msk $0xffff, v3  }
0x17b: {  	(v2sf) =	vpush v2, $0xA;
	s2 =	sadd.s32 $0xFFFF7C90, s2;
	v4 =	vor.u32 s5, v0;
	v3 =	vld.idx.msk [tilespmem:v5+s10+$0x0], $0xffff  }
0x17c: {  	v5 =	vor.u32 s2, v0;
	_ =	sdelay $0x1  }
0x17d: {  	s6 =	spop (v2sf)  }
0x17e: {  	s2 =	sand.u32 $0x60, s6  }
0x17f: {  	s2 =	sor.u32 s2, s0;
	[tilespmem:v4+s13+$0x0] =	vst.idx.msk $0xffff, v3  }
0x180: {  	s7 =	sadd.s32 $0xFFFF7D00, s2;
	v4 =	vor.u32 s5, v1;
	v3 =	vld.idx.msk [tilespmem:v5+s10+$0x0], $0xffff  }
0x181: {  	v5 =	vor.u32 s7, v0;
	_ =	sdelay $0x3  }
0x182: {  	s8 =	simm.s32 $0x8480;
	[tilespmem:v4+s13+$0x0] =	vst.idx.msk $0xffff, v3  }
0x183: {  	(v2sf) =	vpush v2, $0xB;
	s2 =	sadd.s32 $0xFFFF7D10, s2;
	v4 =	vor.u32 s8, v0;
	v3 =	vld.idx.msk [tilespmem:v5+s10+$0x0], $0xffff  }
0x184: {  	v5 =	vor.u32 s2, v0;
	_ =	sdelay $0x1  }
0x185: {  	s9 =	spop (v2sf)  }
0x186: {  	s2 =	sand.u32 $0x60, s9  }
0x187: {  	s2 =	sor.u32 s2, s0;
	[tilespmem:v4+s13+$0x0] =	vst.idx.msk $0xffff, v3  }
0x188: {  	s11 =	sadd.s32 $0xFFFF7D80, s2;
	v4 =	vor.u32 s8, v1;
	v3 =	vld.idx.msk [tilespmem:v5+s10+$0x0], $0xffff  }
0x189: {  	v5 =	vor.u32 s11, v0;
	_ =	sdelay $0x3  }
0x18a: {  	s12 =	simm.s32 $0x8500;
	[tilespmem:v4+s13+$0x0] =	vst.idx.msk $0xffff, v3  }
0x18b: {  	(v2sf) =	vpush v2, $0xC;
	s2 =	sadd.s32 $0xFFFF7D90, s2;
	v4 =	vor.u32 s12, v0;
	v3 =	vld.idx.msk [tilespmem:v5+s10+$0x0], $0xffff  }
0x18c: {  	v5 =	vor.u32 s2, v0;
	_ =	sdelay $0x1  }
0x18d: {  	s14 =	spop (v2sf)  }
0x18e: {  	s2 =	sand.u32 $0x60, s14  }
0x18f: {  	s2 =	sor.u32 s2, s0;
	[tilespmem:v4+s13+$0x0] =	vst.idx.msk $0xffff, v3  }
0x190: {  	s15 =	sadd.s32 $0xFFFF7E00, s2;
	v4 =	vor.u32 s12, v1;
	v3 =	vld.idx.msk [tilespmem:v5+s10+$0x0], $0xffff  }
0x191: {  	v5 =	vor.u32 s15, v0;
	_ =	sdelay $0x3  }
0x192: {  	s16 =	simm.s32 $0x8580;
	[tilespmem:v4+s13+$0x0] =	vst.idx.msk $0xffff, v3  }
0x193: {  	(v2sf) =	vpush v2, $0xD;
	s2 =	sadd.s32 $0xFFFF7E10, s2;
	v4 =	vor.u32 s16, v0;
	v3 =	vld.idx.msk [tilespmem:v5+s10+$0x0], $0xffff  }
0x194: {  	v5 =	vor.u32 s2, v0;
	_ =	sdelay $0x1  }
0x195: {  	s17 =	spop (v2sf)  }
0x196: {  	s2 =	sand.u32 $0x60, s17  }
0x197: {  	s2 =	sor.u32 s2, s0;
	[tilespmem:v4+s13+$0x0] =	vst.idx.msk $0xffff, v3  }
0x198: {  	s18 =	sadd.s32 $0xFFFF7E80, s2;
	v4 =	vor.u32 s16, v1;
	v3 =	vld.idx.msk [tilespmem:v5+s10+$0x0], $0xffff  }
0x199: {  	v5 =	vor.u32 s18, v0;
	_ =	sdelay $0x3  }
0x19a: {  	s19 =	simm.s32 $0x8600;
	[tilespmem:v4+s13+$0x0] =	vst.idx.msk $0xffff, v3  }
0x19b: {  	(v2sf) =	vpush v2, $0xE;
	s2 =	sadd.s32 $0xFFFF7E90, s2;
	v4 =	vor.u32 s19, v0;
	v3 =	vld.idx.msk [tilespmem:v5+s10+$0x0], $0xffff  }
0x19c: {  	v5 =	vor.u32 s2, v0;
	_ =	sdelay $0x1  }
0x19d: {  	s20 =	spop (v2sf)  }
0x19e: {  	s2 =	sand.u32 $0x60, s20  }
0x19f: {  	s2 =	sor.u32 s2, s0;
	[tilespmem:v4+s13+$0x0] =	vst.idx.msk $0xffff, v3  }
0x1a0: {  	s21 =	sadd.s32 $0xFFFF7F00, s2;
	v4 =	vor.u32 s19, v1;
	v3 =	vld.idx.msk [tilespmem:v5+s10+$0x0], $0xffff  }
0x1a1: {  	v5 =	vor.u32 s21, v0;
	_ =	sdelay $0x3  }
0x1a2: {  	s22 =	simm.s32 $0x8680;
	[tilespmem:v4+s13+$0x0] =	vst.idx.msk $0xffff, v3  }
0x1a3: {  	(v2sf) =	vpush v2, $0xF;
	s2 =	sadd.s32 $0xFFFF7F10, s2;
	v3 =	vor.u32 s22, v0;
	v2 =	vld.idx.msk [tilespmem:v5+s10+$0x0], $0xffff  }
0x1a4: {  	v4 =	vor.u32 s2, v0;
	_ =	sdelay $0x1  }
0x1a5: {  	s23 =	spop (v2sf)  }
0x1a6: {  	s2 =	sand.u32 $0x60, s23  }
0x1a7: {  	s2 =	sor.u32 s2, s0;
	[tilespmem:v3+s13+$0x0] =	vst.idx.msk $0xffff, v2  }
0x1a8: {  	s24 =	sadd.s32 $0xFFFF7F80, s2;
	v3 =	vor.u32 s22, v1;
	v2 =	vld.idx.msk [tilespmem:v4+s10+$0x0], $0xffff  }
0x1a9: {  	v4 =	vor.u32 s24, v0;
	_ =	sdelay $0x3  }
0x1aa: {  	s25 =	simm.s32 $0x8700;
	[tilespmem:v3+s13+$0x0] =	vst.idx.msk $0xffff, v2  }
0x1ab: {  	s2 =	sadd.s32 $0xFFFF7F90, s2;
	v3 =	vor.u32 s25, v0;
	v2 =	vld.idx.msk [tilespmem:v4+s10+$0x0], $0xffff  }
0x1ac: {  	v4 =	vor.u32 s2, v0;
	_ =	sdelay $0x1  }
0x1ad: {  	s26 =	spop (v2sf)  }
0x1ae: {  	s2 =	sand.u32 $0x60, s26  }
0x1af: {  	s2 =	sor.u32 s2, s0;
	[tilespmem:v3+s13+$0x0] =	vst.idx.msk $0xffff, v2  }
0x1b0: {  	s29 =	sadd.s32 $0xFFFF8000, s2;
	v3 =	vor.u32 s25, v1;
	v2 =	vld.idx.msk [tilespmem:v4+s10+$0x0], $0xffff  }
0x1b1: {  	v4 =	vor.u32 s29, v0;
	_ =	sdelay $0x3  }
0x1b2: {  	[tilespmem:v3+s13+$0x0] =	vst.idx.msk $0xffff, v2  }
0x1b3: {  	s30 =	sadd.s32 $0xFFFF8010, s2;
	v3 =	vor.u32 s0, v0;
	v2 =	vld.idx.msk [tilespmem:v4+s10+$0x0], $0xffff  }
0x1b4: {  	v4 =	vor.u32 s30, v0;
	_ =	sdelay $0x2  }
0x1b5: {  	s28 =	simm.s32 $0x11F  }
0x1b6: {  	s1 =	simm.s32 $0x8800;
	s31 =	simm.s32 $0x110;
	s2 =	simm.s32 $0x10;
	[tilespmem:v3+s13+$0x0] =	vst.idx.msk $0xffff, v2  }
0x1b7: {  	s17 =	simm.s32 $0x12F;
	s3 =	sand.u32 $0x70, s2;
	v3 =	vor.u32 s0, v1;
	s0 =	sand.u32 $0x180, s31;
	v2 =	vld.idx.msk [tilespmem:v4+s10+$0x0], $0xffff  }
.LBB2_4:
0x1b8: {  	_ =	sdelay $0x3  }
0x1b9: {  	s0 =	sor.u32 s3, s0;
	[tilespmem:v3+s13+$0x0] =	vst.idx.msk $0xffff, v2  }
0x1ba: {  	v2 =	vld [tilespmem:s0+$0x200];
	_ =	sdelay $0x4  }
0x1bb: {  	v2 =	vshrl.u32 v2, $0x9  }
0x1bc: {  	(v2sf) =	vpush v2, $0x0;
	_ =	sdelay $0x6  }
0x1bd: {  	(v2sf) =	vpush v2, $0x1  }
0x1be: {  	(v2sf) =	vpush v2, $0x2  }
0x1bf: {  	(v2sf) =	vpush v2, $0x3  }
0x1c0: {  	(v2sf) =	vpush v2, $0x4  }
0x1c1: {  	(v2sf) =	vpush v2, $0x5;
	_ =	sdelay $0x1  }
0x1c2: {  	(v2sf) =	vpush v2, $0x6  }
0x1c3: {  	(v2sf) =	vpush v2, $0x7  }
0x1c4: {  	s14 =	spop (v2sf)  }
0x1c5: {  	s12 =	sshll.u32 s2, $0x7;
	s2 =	sand.u32 $0x60, s14  }
0x1c6: {  	s0 =	sor.u32 s12, s2  }
0x1c7: {  	v3 =	vor.u32 s0, v0;
	_ =	sdelay $0x3  }
0x1c8: {  	(v2sf) =	vpush v2, $0x8;
	s15 =	spop (v2sf)  }
0x1c9: {  	v4 =	vor.u32 s1, v0;
	(v2sf) =	vpush v2, $0x9;
	s19 =	spop (v2sf);
	s0 =	sor.u32 $0x10, s0;
	v3 =	vld.idx.msk [tilespmem:v3+s10+$0x0], $0xffff  }
0x1ca: {  	(v2sf) =	vpush v2, $0xA;
	s21 =	spop (v2sf);
	v5 =	vor.u32 s0, v0  }
0x1cb: {  	(v2sf) =	vpush v2, $0xB;
	s6 =	spop (v2sf)  }
0x1cc: {  	s12 =	spop (v2sf);
	(v2sf) =	vpush v2, $0xC  }
0x1cd: {  	s18 =	sshll.u32 s28, $0x7;
	s16 =	sand.u32 $0x60, s15;
	(v2sf) =	vpush v2, $0xD  }
0x1ce: {  	s2 =	sor.u32 s16, s18;
	s25 =	spop (v2sf);
	(v2sf) =	vpush v2, $0xE;
	[tilespmem:v4+s13+$0x0] =	vst.idx.msk $0xffff, v3  }
0x1cf: {  	s5 =	sadd.s32 $0xFFFF7900, s2;
	s30 =	spop (v2sf);
	(v2sf) =	vpush v2, $0xF;
	v3 =	vor.u32 s1, v1;
	v2 =	vld.idx.msk [tilespmem:v5+s10+$0x0], $0xffff  }
0x1d0: {  	v4 =	vor.u32 s5, v0;
	_ =	sdelay $0x3  }
0x1d1: {  	s22 =	sadd.s32 $0xFFFFF900, s18;
	[tilespmem:v3+s13+$0x0] =	vst.idx.msk $0xffff, v2  }
0x1d2: {  	s3 =	sadd.s32 $0xFFFF7910, s2;
	v3 =	vor.u32 s22, v0;
	v2 =	vld.idx.msk [tilespmem:v4+s10+$0x0], $0xffff  }
0x1d3: {  	v4 =	vor.u32 s3, v0;
	_ =	sdelay $0x2  }
0x1d4: {  	s4 =	sand.u32 $0x60, s19  }
0x1d5: {  	s20 =	sor.u32 s4, s18;
	[tilespmem:v3+s13+$0x0] =	vst.idx.msk $0xffff, v2  }
0x1d6: {  	s9 =	sadd.s32 $0xFFFF7980, s20;
	v3 =	vor.u32 s22, v1;
	v2 =	vld.idx.msk [tilespmem:v4+s10+$0x0], $0xffff  }
0x1d7: {  	v4 =	vor.u32 s9, v0;
	_ =	sdelay $0x3  }
0x1d8: {  	s29 =	sadd.s32 $0xFFFFF980, s18;
	[tilespmem:v3+s13+$0x0] =	vst.idx.msk $0xffff, v2  }
0x1d9: {  	s4 =	sadd.s32 $0xFFFF7990, s20;
	v3 =	vor.u32 s29, v0;
	v2 =	vld.idx.msk [tilespmem:v4+s10+$0x0], $0xffff  }
0x1da: {  	v4 =	vor.u32 s4, v0;
	_ =	sdelay $0x2  }
0x1db: {  	s2 =	sand.u32 $0x60, s21  }
0x1dc: {  	s7 =	sor.u32 s2, s18;
	[tilespmem:v3+s13+$0x0] =	vst.idx.msk $0xffff, v2  }
0x1dd: {  	s2 =	sadd.s32 $0xFFFF7A00, s7;
	v3 =	vor.u32 s29, v1;
	v2 =	vld.idx.msk [tilespmem:v4+s10+$0x0], $0xffff  }
0x1de: {  	v4 =	vor.u32 s2, v0;
	_ =	sdelay $0x3  }
0x1df: {  	s31 =	sadd.s32 $0xFFFFFA00, s18;
	[tilespmem:v3+s13+$0x0] =	vst.idx.msk $0xffff, v2  }
0x1e0: {  	s8 =	sand.u32 $0x60, s6;
	s6 =	sadd.s32 $0xFFFF7A10, s7;
	v3 =	vor.u32 s31, v0;
	v2 =	vld.idx.msk [tilespmem:v4+s10+$0x0], $0xffff  }
0x1e1: {  	v4 =	vor.u32 s6, v0;
	_ =	sdelay $0x3  }
0x1e2: {  	s8 =	sor.u32 s8, s18;
	[tilespmem:v3+s13+$0x0] =	vst.idx.msk $0xffff, v2  }
0x1e3: {  	s7 =	sadd.s32 $0xFFFF7A80, s8;
	v3 =	vor.u32 s31, v1;
	v2 =	vld.idx.msk [tilespmem:v4+s10+$0x0], $0xffff  }
0x1e4: {  	v4 =	vor.u32 s7, v0;
	_ =	sdelay $0x3  }
0x1e5: {  	s15 =	sand.u32 $0x60, s30;
	s30 =	sadd.s32 $0xFFFFFA80, s18;
	[tilespmem:v3+s13+$0x0] =	vst.idx.msk $0xffff, v2  }
0x1e6: {  	s11 =	sadd.s32 $0xFFFF7A90, s8;
	v3 =	vor.u32 s30, v0;
	v2 =	vld.idx.msk [tilespmem:v4+s10+$0x0], $0xffff  }
0x1e7: {  	v4 =	vor.u32 s11, v0;
	_ =	sdelay $0x2  }
0x1e8: {  	s24 =	sand.u32 $0x60, s12  }
0x1e9: {  	s0 =	sor.u32 s24, s18;
	[tilespmem:v3+s13+$0x0] =	vst.idx.msk $0xffff, v2  }
0x1ea: {  	s12 =	sadd.s32 $0xFFFF7B00, s0;
	v3 =	vor.u32 s30, v1;
	v2 =	vld.idx.msk [tilespmem:v4+s10+$0x0], $0xffff  }
0x1eb: {  	v4 =	vor.u32 s12, v0;
	_ =	sdelay $0x2  }
0x1ec: {  	s19 =	spop (v2sf)  }
0x1ed: {  	s26 =	sand.u32 $0x60, s25;
	s25 =	sand.u32 $0x60, s19;
	s19 =	sadd.s32 $0xFFFFFB00, s18;
	[tilespmem:v3+s13+$0x0] =	vst.idx.msk $0xffff, v2  }
0x1ee: {  	s14 =	sadd.s32 $0xFFFF7B10, s0;
	v3 =	vor.u32 s19, v0;
	v2 =	vld.idx.msk [tilespmem:v4+s10+$0x0], $0xffff  }
0x1ef: {  	v4 =	vor.u32 s14, v0;
	_ =	sdelay $0x3  }
0x1f0: {  	s0 =	sor.u32 s26, s18;
	[tilespmem:v3+s13+$0x0] =	vst.idx.msk $0xffff, v2  }
0x1f1: {  	s16 =	sadd.s32 $0xFFFF7B80, s0;
	v3 =	vor.u32 s19, v1;
	v2 =	vld.idx.msk [tilespmem:v4+s10+$0x0], $0xffff  }
0x1f2: {  	v4 =	vor.u32 s16, v0  }
0x1f3: {  	s21 =	sadd.s32 $0xFFFF7B90, s0;
	s0 =	sor.u32 s15, s18  }
0x1f4: {  	s20 =	sadd.s32 $0xFFFF7C00, s0;
	s24 =	sadd.s32 $0xFFFF7C10, s0;
	s0 =	sor.u32 s25, s18  }
0x1f5: {  	s8 =	sadd.s32 $0xFFFF7C80, s0;
	s0 =	sadd.s32 $0xFFFF7C90, s0  }
0x1f6: {  	[dreg:$0x1c] =	wrdreg s0;
	s0 =	sadd.s32 $0xFFFFFB80, s18;
	[tilespmem:v3+s13+$0x0] =	vst.idx.msk $0xffff, v2  }
0x1f7: {  	v3 =	vor.u32 s0, v0;
	v2 =	vld.idx.msk [tilespmem:v4+s10+$0x0], $0xffff  }
0x1f8: {  	v4 =	vor.u32 s21, v0;
	_ =	sdelay $0x3  }
0x1f9: {  	[tilespmem:v3+s13+$0x0] =	vst.idx.msk $0xffff, v2  }
0x1fa: {  	v3 =	vor.u32 s0, v1;
	v2 =	vld.idx.msk [tilespmem:v4+s10+$0x0], $0xffff  }
0x1fb: {  	s26 =	spop (v2sf);
	v4 =	vor.u32 s20, v0  }
0x1fc: {  	s1 =	sand.u32 $0x60, s26  }
0x1fd: {  	s1 =	sor.u32 s1, s18  }
0x1fe: {  	s25 =	sadd.s32 $0xFFFF7D00, s1;
	s1 =	sadd.s32 $0xFFFF7D10, s1  }
0x1ff: {  	[dreg:$0x19] =	wrdreg s1;
	s1 =	sadd.s32 $0xFFFFFC00, s18;
	[tilespmem:v3+s13+$0x0] =	vst.idx.msk $0xffff, v2  }
0x200: {  	v3 =	vor.u32 s1, v0;
	v2 =	vld.idx.msk [tilespmem:v4+s10+$0x0], $0xffff  }
0x201: {  	v4 =	vor.u32 s24, v0;
	_ =	sdelay $0x3  }
0x202: {  	[dreg:$0x1e] =	wrdreg s8;
	[tilespmem:v3+s13+$0x0] =	vst.idx.msk $0xffff, v2  }
0x203: {  	s6 =	rddreg [dreg:$0x1e];
	v3 =	vor.u32 s1, v1;
	v2 =	vld.idx.msk [tilespmem:v4+s10+$0x0], $0xffff  }
0x204: {  	v4 =	vor.u32 s6, v0;
	_ =	sdelay $0x3  }
0x205: {  	s8 =	sadd.s32 $0xFFFFFC80, s18;
	[tilespmem:v3+s13+$0x0] =	vst.idx.msk $0xffff, v2  }
0x206: {  	s7 =	rddreg [dreg:$0x1c];
	v3 =	vor.u32 s8, v0;
	v2 =	vld.idx.msk [tilespmem:v4+s10+$0x0], $0xffff  }
0x207: {  	v4 =	vor.u32 s7, v0;
	_ =	sdelay $0x3  }
0x208: {  	[dreg:$0x1b] =	wrdreg s25;
	[tilespmem:v3+s13+$0x0] =	vst.idx.msk $0xffff, v2  }
0x209: {  	v3 =	vor.u32 s8, v1;
	s8 =	rddreg [dreg:$0x1b];
	v2 =	vld.idx.msk [tilespmem:v4+s10+$0x0], $0xffff  }
0x20a: {  	v4 =	vor.u32 s8, v0;
	_ =	sdelay $0x3  }
0x20b: {  	s3 =	sadd.s32 $0xFFFFFD00, s18;
	[tilespmem:v3+s13+$0x0] =	vst.idx.msk $0xffff, v2  }
0x20c: {  	s11 =	rddreg [dreg:$0x19];
	v3 =	vor.u32 s3, v0;
	v2 =	vld.idx.msk [tilespmem:v4+s10+$0x0], $0xffff  }
0x20d: {  	s15 =	spop (v2sf);
	v4 =	vor.u32 s11, v0  }
0x20e: {  	s5 =	sand.u32 $0x60, s15  }
0x20f: {  	s5 =	sor.u32 s5, s18  }
0x210: {  	s15 =	sadd.s32 $0xFFFF7D80, s5  }
0x211: {  	s26 =	spop (v2sf);
	[dreg:$0x18] =	wrdreg s15;
	[tilespmem:v3+s13+$0x0] =	vst.idx.msk $0xffff, v2  }
0x212: {  	s5 =	sadd.s32 $0xFFFF7D90, s5;
	s15 =	sand.u32 $0x60, s26;
	s12 =	rddreg [dreg:$0x18];
	v3 =	vor.u32 s3, v1;
	v2 =	vld.idx.msk [tilespmem:v4+s10+$0x0], $0xffff  }
0x213: {  	s25 =	spop (v2sf);
	[dreg:$0x15] =	wrdreg s5;
	s5 =	sor.u32 s15, s18;
	v4 =	vor.u32 s12, v0  }
0x214: {  	s25 =	sand.u32 $0x60, s25;
	s26 =	sadd.s32 $0xFFFF7E00, s5;
	s5 =	sadd.s32 $0xFFFF7E10, s5  }
0x215: {  	[dreg:$0x11] =	wrdreg s5;
	s5 =	sor.u32 s25, s18  }
0x216: {  	s25 =	sadd.s32 $0xFFFF7E80, s5;
	s5 =	sadd.s32 $0xFFFF7E90, s5  }
0x217: {  	[dreg:$0xe] =	wrdreg s5;
	s5 =	sadd.s32 $0xFFFFFD80, s18;
	[tilespmem:v3+s13+$0x0] =	vst.idx.msk $0xffff, v2  }
0x218: {  	s14 =	rddreg [dreg:$0x15];
	v3 =	vor.u32 s5, v0;
	v2 =	vld.idx.msk [tilespmem:v4+s10+$0x0], $0xffff  }
0x219: {  	v4 =	vor.u32 s14, v0;
	_ =	sdelay $0x3  }
0x21a: {  	[dreg:$0x14] =	wrdreg s26;
	[tilespmem:v3+s13+$0x0] =	vst.idx.msk $0xffff, v2  }
0x21b: {  	s16 =	rddreg [dreg:$0x14];
	v3 =	vor.u32 s5, v1;
	v2 =	vld.idx.msk [tilespmem:v4+s10+$0x0], $0xffff  }
0x21c: {  	s26 =	spop (v2sf);
	v4 =	vor.u32 s16, v0  }
0x21d: {  	s15 =	sand.u32 $0x60, s26  }
0x21e: {  	s15 =	sor.u32 s15, s18  }
0x21f: {  	[dreg:$0x10] =	wrdreg s25;
	s25 =	sadd.s32 $0xFFFF7F00, s15;
	s15 =	sadd.s32 $0xFFFF7F10, s15  }
0x220: {  	[dreg:$0xb] =	wrdreg s15;
	s15 =	sadd.s32 $0xFFFFFE00, s18;
	[tilespmem:v3+s13+$0x0] =	vst.idx.msk $0xffff, v2  }
0x221: {  	s19 =	rddreg [dreg:$0x11];
	v3 =	vor.u32 s15, v0;
	v2 =	vld.idx.msk [tilespmem:v4+s10+$0x0], $0xffff  }
0x222: {  	v4 =	vor.u32 s19, v0;
	_ =	sdelay $0x3  }
0x223: {  	[tilespmem:v3+s13+$0x0] =	vst.idx.msk $0xffff, v2  }
0x224: {  	s20 =	rddreg [dreg:$0x10];
	v3 =	vor.u32 s15, v1;
	v2 =	vld.idx.msk [tilespmem:v4+s10+$0x0], $0xffff  }
0x225: {  	v4 =	vor.u32 s20, v0;
	_ =	sdelay $0x2  }
0x226: {  	s26 =	spop (v2sf)  }
0x227: {  	s26 =	sand.u32 $0x60, s26;
	s9 =	sadd.s32 $0xFFFFFE80, s18;
	[tilespmem:v3+s13+$0x0] =	vst.idx.msk $0xffff, v2  }
0x228: {  	s26 =	sor.u32 s26, s18;
	s21 =	rddreg [dreg:$0xe];
	v3 =	vor.u32 s9, v0;
	v2 =	vld.idx.msk [tilespmem:v4+s10+$0x0], $0xffff  }
0x229: {  	s28 =	spop (v2sf);
	[dreg:$0xc] =	wrdreg s25;
	s25 =	sadd.s32 $0xFFFF7F80, s26;
	v4 =	vor.u32 s21, v0  }
0x22a: {  	[dreg:$0xa] =	wrdreg s25;
	s25 =	sand.u32 $0x60, s28  }
0x22b: {  	s28 =	sor.u32 s25, s18  }
0x22c: {  	s25 =	sadd.s32 $0xFFFF8000, s28;
	s28 =	sadd.s32 $0xFFFF8010, s28  }
0x22d: {  	s23 =	smov.u32 s17;
	[dreg:$0x6] =	wrdreg s28;
	[tilespmem:v3+s13+$0x0] =	vst.idx.msk $0xffff, v2  }
0x22e: {  	s28 =	smov.u32 s23;
	s23 =	rddreg [dreg:$0xc];
	v3 =	vor.u32 s9, v1;
	v2 =	vld.idx.msk [tilespmem:v4+s10+$0x0], $0xffff  }
0x22f: {  	v4 =	vor.u32 s23, v0;
	_ =	sdelay $0x2  }
0x230: {  	s26 =	sadd.s32 $0xFFFF7F90, s26  }
0x231: {  	[dreg:$0x9] =	wrdreg s26;
	s26 =	sadd.s32 $0xFFFFFF00, s18;
	[tilespmem:v3+s13+$0x0] =	vst.idx.msk $0xffff, v2  }
0x232: {  	s24 =	rddreg [dreg:$0xb];
	v3 =	vor.u32 s26, v0;
	v2 =	vld.idx.msk [tilespmem:v4+s10+$0x0], $0xffff  }
0x233: {  	v4 =	vor.u32 s24, v0;
	_ =	sdelay $0x3  }
0x234: {  	[dreg:$0x8] =	wrdreg s25;
	[tilespmem:v3+s13+$0x0] =	vst.idx.msk $0xffff, v2  }
0x235: {  	s25 =	rddreg [dreg:$0xa];
	v3 =	vor.u32 s26, v1;
	v2 =	vld.idx.msk [tilespmem:v4+s10+$0x0], $0xffff  }
0x236: {  	v4 =	vor.u32 s25, v0;
	_ =	sdelay $0x3  }
0x237: {  	s22 =	sadd.s32 $0xFFFFFF80, s18;
	[tilespmem:v3+s13+$0x0] =	vst.idx.msk $0xffff, v2  }
0x238: {  	s26 =	rddreg [dreg:$0x9];
	v3 =	vor.u32 s22, v0;
	v2 =	vld.idx.msk [tilespmem:v4+s10+$0x0], $0xffff  }
0x239: {  	v4 =	vor.u32 s26, v0;
	_ =	sdelay $0x3  }
0x23a: {  	[tilespmem:v3+s13+$0x0] =	vst.idx.msk $0xffff, v2  }
0x23b: {  	s29 =	rddreg [dreg:$0x8];
	v3 =	vor.u32 s22, v1;
	v2 =	vld.idx.msk [tilespmem:v4+s10+$0x0], $0xffff  }
0x23c: {  	v4 =	vor.u32 s29, v0;
	_ =	sdelay $0x3  }
0x23d: {  	[tilespmem:v3+s13+$0x0] =	vst.idx.msk $0xffff, v2  }
0x23e: {  	s30 =	rddreg [dreg:$0x6];
	v3 =	vor.u32 s18, v0;
	v2 =	vld.idx.msk [tilespmem:v4+s10+$0x0], $0xffff  }
0x23f: {  	p0 =	sne.s32 s17, $0x1FF;
	v4 =	vor.u32 s30, v0  }
.Ltmp1:
0x240: {  	_ = 	snop;
	(pc) =	sbr.rel @p0 .LBB2_4-.Ltmp1, $3  }
0x241: {  	_ =	sdelay $0x1  }
0x242: {  	s17 =	sadd.s32 $0x10, s17;
	s2 =	sadd.s32 $0xFFFFFEF1, s28;
	s31 =	sadd.s32 $0xFFFFFFF1, s28;
	[tilespmem:v3+s13+$0x0] =	vst.idx.msk $0xffff, v2  }
0x243: {  	s0 =	sand.u32 $0x180, s31;
	s1 =	sshll.u32 s31, $0x7;
	s3 =	sand.u32 $0x70, s2;
	v3 =	vor.u32 s18, v1;
	v2 =	vld.idx.msk [tilespmem:v4+s10+$0x0], $0xffff  }
0x244: {  	_ =	sdelay $0x3  }
0x245: {  	s0 =	sor.u32 s3, s0;
	[tilespmem:v3+s13+$0x0] =	vst.idx.msk $0xffff, v2  }
0x246: {  	v2 =	vld [tilespmem:s0+$0x200];
	_ =	sdelay $0x4  }
0x247: {  	v2 =	vshrl.u32 v2, $0x9  }
0x248: {  	(v2sf) =	vpush v2, $0x0;
	_ =	sdelay $0xa  }
0x249: {  	(v2sf) =	vpush v2, $0x1;
	_ =	sdelay $0x3  }
0x24a: {  	s6 =	spop (v2sf)  }
0x24b: {  	s2 =	sshll.u32 s2, $0x7;
	s0 =	sand.u32 $0x60, s6  }
0x24c: {  	s0 =	sor.u32 s2, s0  }
0x24d: {  	v3 =	vor.u32 s0, v0;
	_ =	sdelay $0x4  }
0x24e: {  	v4 =	vor.u32 s1, v0;
	(v2sf) =	vpush v2, $0x2;
	s0 =	sor.u32 $0x10, s0;
	v3 =	vld.idx.msk [tilespmem:v3+s10+$0x0], $0xffff  }
0x24f: {  	v5 =	vor.u32 s0, v0;
	_ =	sdelay $0x1  }
0x250: {  	s7 =	spop (v2sf)  }
0x251: {  	s2 =	sand.u32 $0x60, s7;
	s0 =	sshll.u32 s28, $0x7  }
0x252: {  	s2 =	sor.u32 s2, s0;
	[tilespmem:v4+s13+$0x0] =	vst.idx.msk $0xffff, v3  }
0x253: {  	s8 =	sadd.s32 $0xFFFF7900, s2;
	v3 =	vor.u32 s1, v1;
	v4 =	vld.idx.msk [tilespmem:v5+s10+$0x0], $0xffff  }
0x254: {  	v22 =	vor.u32 s8, v0;
	_ =	sdelay $0x3  }
0x255: {  	s9 =	sadd.s32 $0xFFFFF900, s0;
	[tilespmem:v3+s13+$0x0] =	vst.idx.msk $0xffff, v4  }
0x256: {  	(v2sf) =	vpush v2, $0x3;
	s2 =	sadd.s32 $0xFFFF7910, s2;
	v23 =	vor.u32 s9, v0;
	v3 =	vld.idx.msk [tilespmem:v22+s10+$0x0], $0xffff  }
0x257: {  	v24 =	vor.u32 s2, v0;
	_ =	sdelay $0x1  }
0x258: {  	s11 =	spop (v2sf)  }
0x259: {  	s2 =	sand.u32 $0x60, s11  }
0x25a: {  	s2 =	sor.u32 s2, s0;
	[tilespmem:v23+s13+$0x0] =	vst.idx.msk $0xffff, v3  }
0x25b: {  	s12 =	sadd.s32 $0xFFFF7980, s2;
	v3 =	vor.u32 s9, v1;
	v4 =	vld.idx.msk [tilespmem:v24+s10+$0x0], $0xffff  }
0x25c: {  	v25 =	vor.u32 s12, v0;
	_ =	sdelay $0x3  }
0x25d: {  	s14 =	sadd.s32 $0xFFFFF980, s0;
	[tilespmem:v3+s13+$0x0] =	vst.idx.msk $0xffff, v4  }
0x25e: {  	v26 =	vor.u32 s14, v0;
	(v2sf) =	vpush v2, $0x4;
	s2 =	sadd.s32 $0xFFFF7990, s2;
	v3 =	vld.idx.msk [tilespmem:v25+s10+$0x0], $0xffff  }
0x25f: {  	v27 =	vor.u32 s2, v0;
	_ =	sdelay $0x1  }
0x260: {  	s15 =	spop (v2sf)  }
0x261: {  	s2 =	sand.u32 $0x60, s15  }
0x262: {  	s2 =	sor.u32 s2, s0;
	[tilespmem:v26+s13+$0x0] =	vst.idx.msk $0xffff, v3  }
0x263: {  	s16 =	sadd.s32 $0xFFFF7A00, s2;
	v3 =	vor.u32 s14, v1;
	v4 =	vld.idx.msk [tilespmem:v27+s10+$0x0], $0xffff  }
0x264: {  	v28 =	vor.u32 s16, v0;
	_ =	sdelay $0x3  }
0x265: {  	s17 =	sadd.s32 $0xFFFFFA00, s0;
	[tilespmem:v3+s13+$0x0] =	vst.idx.msk $0xffff, v4  }
0x266: {  	v29 =	vor.u32 s17, v0;
	(v2sf) =	vpush v2, $0x5;
	s2 =	sadd.s32 $0xFFFF7A10, s2;
	v3 =	vld.idx.msk [tilespmem:v28+s10+$0x0], $0xffff  }
0x267: {  	v30 =	vor.u32 s2, v0;
	_ =	sdelay $0x1  }
0x268: {  	s18 =	spop (v2sf)  }
0x269: {  	s2 =	sand.u32 $0x60, s18  }
0x26a: {  	s2 =	sor.u32 s2, s0;
	[tilespmem:v29+s13+$0x0] =	vst.idx.msk $0xffff, v3  }
0x26b: {  	s19 =	sadd.s32 $0xFFFF7A80, s2;
	v3 =	vor.u32 s17, v1;
	v4 =	vld.idx.msk [tilespmem:v30+s10+$0x0], $0xffff  }
0x26c: {  	v31 =	vor.u32 s19, v0;
	_ =	sdelay $0x3  }
0x26d: {  	s20 =	sadd.s32 $0xFFFFFA80, s0;
	[tilespmem:v3+s13+$0x0] =	vst.idx.msk $0xffff, v4  }
0x26e: {  	v32 =	vor.u32 s20, v0;
	(v2sf) =	vpush v2, $0x6;
	s2 =	sadd.s32 $0xFFFF7A90, s2;
	v3 =	vld.idx.msk [tilespmem:v31+s10+$0x0], $0xffff  }
0x26f: {  	v33 =	vor.u32 s2, v0;
	_ =	sdelay $0x1  }
0x270: {  	s21 =	spop (v2sf)  }
0x271: {  	s2 =	sand.u32 $0x60, s21  }
0x272: {  	s2 =	sor.u32 s2, s0;
	[tilespmem:v32+s13+$0x0] =	vst.idx.msk $0xffff, v3  }
0x273: {  	s22 =	sadd.s32 $0xFFFF7B00, s2;
	v3 =	vor.u32 s20, v1;
	v4 =	vld.idx.msk [tilespmem:v33+s10+$0x0], $0xffff  }
0x274: {  	v34 =	vor.u32 s22, v0;
	_ =	sdelay $0x3  }
0x275: {  	s23 =	sadd.s32 $0xFFFFFB00, s0;
	[tilespmem:v3+s13+$0x0] =	vst.idx.msk $0xffff, v4  }
0x276: {  	v35 =	vor.u32 s23, v0;
	(v2sf) =	vpush v2, $0x7;
	s2 =	sadd.s32 $0xFFFF7B10, s2;
	v3 =	vld.idx.msk [tilespmem:v34+s10+$0x0], $0xffff  }
0x277: {  	v36 =	vor.u32 s2, v0;
	_ =	sdelay $0x1  }
0x278: {  	s24 =	spop (v2sf)  }
0x279: {  	s2 =	sand.u32 $0x60, s24  }
0x27a: {  	s2 =	sor.u32 s2, s0;
	[tilespmem:v35+s13+$0x0] =	vst.idx.msk $0xffff, v3  }
0x27b: {  	s25 =	sadd.s32 $0xFFFF7B80, s2;
	v3 =	vor.u32 s23, v1;
	v4 =	vld.idx.msk [tilespmem:v36+s10+$0x0], $0xffff  }
0x27c: {  	v37 =	vor.u32 s25, v0;
	_ =	sdelay $0x3  }
0x27d: {  	s26 =	sadd.s32 $0xFFFFFB80, s0;
	[tilespmem:v3+s13+$0x0] =	vst.idx.msk $0xffff, v4  }
0x27e: {  	v38 =	vor.u32 s26, v0;
	(v2sf) =	vpush v2, $0x8;
	s2 =	sadd.s32 $0xFFFF7B90, s2;
	v3 =	vld.idx.msk [tilespmem:v37+s10+$0x0], $0xffff  }
0x27f: {  	v39 =	vor.u32 s2, v0;
	_ =	sdelay $0x1  }
0x280: {  	s28 =	spop (v2sf)  }
0x281: {  	s2 =	sand.u32 $0x60, s28  }
0x282: {  	s2 =	sor.u32 s2, s0;
	[tilespmem:v38+s13+$0x0] =	vst.idx.msk $0xffff, v3  }
0x283: {  	s29 =	sadd.s32 $0xFFFF7C00, s2;
	v3 =	vor.u32 s26, v1;
	v4 =	vld.idx.msk [tilespmem:v39+s10+$0x0], $0xffff  }
0x284: {  	v40 =	vor.u32 s29, v0;
	_ =	sdelay $0x3  }
0x285: {  	s30 =	sadd.s32 $0xFFFFFC00, s0;
	[tilespmem:v3+s13+$0x0] =	vst.idx.msk $0xffff, v4  }
0x286: {  	v41 =	vor.u32 s30, v0;
	(v2sf) =	vpush v2, $0x9;
	s2 =	sadd.s32 $0xFFFF7C10, s2;
	v3 =	vld.idx.msk [tilespmem:v40+s10+$0x0], $0xffff  }
0x287: {  	v42 =	vor.u32 s2, v0;
	_ =	sdelay $0x1  }
0x288: {  	s31 =	spop (v2sf)  }
0x289: {  	s2 =	sand.u32 $0x60, s31  }
0x28a: {  	s2 =	sor.u32 s2, s0;
	[tilespmem:v41+s13+$0x0] =	vst.idx.msk $0xffff, v3  }
0x28b: {  	s3 =	sadd.s32 $0xFFFF7C80, s2;
	v3 =	vor.u32 s30, v1;
	v4 =	vld.idx.msk [tilespmem:v42+s10+$0x0], $0xffff  }
0x28c: {  	v43 =	vor.u32 s3, v0;
	_ =	sdelay $0x3  }
0x28d: {  	s4 =	sadd.s32 $0xFFFFFC80, s0;
	[tilespmem:v3+s13+$0x0] =	vst.idx.msk $0xffff, v4  }
0x28e: {  	v44 =	vor.u32 s4, v0;
	(v2sf) =	vpush v2, $0xA;
	s2 =	sadd.s32 $0xFFFF7C90, s2;
	v3 =	vld.idx.msk [tilespmem:v43+s10+$0x0], $0xffff  }
0x28f: {  	v45 =	vor.u32 s2, v0;
	_ =	sdelay $0x1  }
0x290: {  	s5 =	spop (v2sf)  }
0x291: {  	s2 =	sand.u32 $0x60, s5  }
0x292: {  	s2 =	sor.u32 s2, s0;
	[tilespmem:v44+s13+$0x0] =	vst.idx.msk $0xffff, v3  }
0x293: {  	s6 =	sadd.s32 $0xFFFF7D00, s2;
	v3 =	vor.u32 s4, v1;
	v4 =	vld.idx.msk [tilespmem:v45+s10+$0x0], $0xffff  }
0x294: {  	v46 =	vor.u32 s6, v0;
	_ =	sdelay $0x3  }
0x295: {  	s7 =	sadd.s32 $0xFFFFFD00, s0;
	[tilespmem:v3+s13+$0x0] =	vst.idx.msk $0xffff, v4  }
0x296: {  	v47 =	vor.u32 s7, v0;
	(v2sf) =	vpush v2, $0xB;
	s2 =	sadd.s32 $0xFFFF7D10, s2;
	v3 =	vld.idx.msk [tilespmem:v46+s10+$0x0], $0xffff  }
0x297: {  	v48 =	vor.u32 s2, v0;
	_ =	sdelay $0x1  }
0x298: {  	s8 =	spop (v2sf)  }
0x299: {  	s2 =	sand.u32 $0x60, s8  }
0x29a: {  	s2 =	sor.u32 s2, s0;
	[tilespmem:v47+s13+$0x0] =	vst.idx.msk $0xffff, v3  }
0x29b: {  	s9 =	sadd.s32 $0xFFFF7D80, s2;
	v3 =	vor.u32 s7, v1;
	v4 =	vld.idx.msk [tilespmem:v48+s10+$0x0], $0xffff  }
0x29c: {  	v49 =	vor.u32 s9, v0;
	_ =	sdelay $0x3  }
0x29d: {  	s11 =	sadd.s32 $0xFFFFFD80, s0;
	[tilespmem:v3+s13+$0x0] =	vst.idx.msk $0xffff, v4  }
0x29e: {  	v50 =	vor.u32 s11, v0;
	(v2sf) =	vpush v2, $0xC;
	s2 =	sadd.s32 $0xFFFF7D90, s2;
	v3 =	vld.idx.msk [tilespmem:v49+s10+$0x0], $0xffff  }
0x29f: {  	v51 =	vor.u32 s2, v0;
	_ =	sdelay $0x1  }
0x2a0: {  	s12 =	spop (v2sf)  }
0x2a1: {  	s2 =	sand.u32 $0x60, s12  }
0x2a2: {  	s2 =	sor.u32 s2, s0;
	[tilespmem:v50+s13+$0x0] =	vst.idx.msk $0xffff, v3  }
0x2a3: {  	s14 =	sadd.s32 $0xFFFF7E00, s2;
	v3 =	vor.u32 s11, v1;
	v4 =	vld.idx.msk [tilespmem:v51+s10+$0x0], $0xffff  }
0x2a4: {  	v52 =	vor.u32 s14, v0;
	_ =	sdelay $0x3  }
0x2a5: {  	s15 =	sadd.s32 $0xFFFFFE00, s0;
	[tilespmem:v3+s13+$0x0] =	vst.idx.msk $0xffff, v4  }
0x2a6: {  	v53 =	vor.u32 s15, v0;
	(v2sf) =	vpush v2, $0xD;
	s2 =	sadd.s32 $0xFFFF7E10, s2;
	v3 =	vld.idx.msk [tilespmem:v52+s10+$0x0], $0xffff  }
0x2a7: {  	v54 =	vor.u32 s2, v0;
	_ =	sdelay $0x1  }
0x2a8: {  	s16 =	spop (v2sf)  }
0x2a9: {  	s2 =	sand.u32 $0x60, s16  }
0x2aa: {  	s2 =	sor.u32 s2, s0;
	[tilespmem:v53+s13+$0x0] =	vst.idx.msk $0xffff, v3  }
0x2ab: {  	s17 =	sadd.s32 $0xFFFF7E80, s2;
	v3 =	vor.u32 s15, v1;
	v4 =	vld.idx.msk [tilespmem:v54+s10+$0x0], $0xffff  }
0x2ac: {  	v55 =	vor.u32 s17, v0;
	_ =	sdelay $0x3  }
0x2ad: {  	s18 =	sadd.s32 $0xFFFFFE80, s0;
	[tilespmem:v3+s13+$0x0] =	vst.idx.msk $0xffff, v4  }
0x2ae: {  	v56 =	vor.u32 s18, v0;
	(v2sf) =	vpush v2, $0xE;
	s2 =	sadd.s32 $0xFFFF7E90, s2;
	v3 =	vld.idx.msk [tilespmem:v55+s10+$0x0], $0xffff  }
0x2af: {  	v57 =	vor.u32 s2, v0;
	_ =	sdelay $0x1  }
0x2b0: {  	s19 =	spop (v2sf)  }
0x2b1: {  	s2 =	sand.u32 $0x60, s19  }
0x2b2: {  	s2 =	sor.u32 s2, s0;
	[tilespmem:v56+s13+$0x0] =	vst.idx.msk $0xffff, v3  }
0x2b3: {  	s20 =	sadd.s32 $0xFFFF7F00, s2;
	v3 =	vor.u32 s18, v1;
	v4 =	vld.idx.msk [tilespmem:v57+s10+$0x0], $0xffff  }
0x2b4: {  	v58 =	vor.u32 s20, v0;
	_ =	sdelay $0x3  }
0x2b5: {  	s21 =	sadd.s32 $0xFFFFFF00, s0;
	[tilespmem:v3+s13+$0x0] =	vst.idx.msk $0xffff, v4  }
0x2b6: {  	(v2sf) =	vpush v2, $0xF;
	s2 =	sadd.s32 $0xFFFF7F10, s2;
	v3 =	vor.u32 s21, v0;
	v2 =	vld.idx.msk [tilespmem:v58+s10+$0x0], $0xffff  }
0x2b7: {  	v59 =	vor.u32 s2, v0;
	_ =	sdelay $0x1  }
0x2b8: {  	s22 =	spop (v2sf)  }
0x2b9: {  	s2 =	sand.u32 $0x60, s22  }
0x2ba: {  	s2 =	sor.u32 s2, s0;
	[tilespmem:v3+s13+$0x0] =	vst.idx.msk $0xffff, v2  }
0x2bb: {  	s23 =	sadd.s32 $0xFFFF7F80, s2;
	v2 =	vor.u32 s21, v1;
	v3 =	vld.idx.msk [tilespmem:v59+s10+$0x0], $0xffff  }
0x2bc: {  	v60 =	vor.u32 s23, v0;
	_ =	sdelay $0x3  }
0x2bd: {  	s24 =	sadd.s32 $0xFFFFFF80, s0;
	[tilespmem:v2+s13+$0x0] =	vst.idx.msk $0xffff, v3  }
0x2be: {  	s2 =	sadd.s32 $0xFFFF7F90, s2;
	v3 =	vor.u32 s24, v0;
	v2 =	vld.idx.msk [tilespmem:v60+s10+$0x0], $0xffff  }
0x2bf: {  	v61 =	vor.u32 s2, v0;
	_ =	sdelay $0x1  }
0x2c0: {  	s25 =	spop (v2sf)  }
0x2c1: {  	s2 =	sand.u32 $0x60, s25  }
0x2c2: {  	s2 =	sor.u32 s2, s0;
	[tilespmem:v3+s13+$0x0] =	vst.idx.msk $0xffff, v2  }
0x2c3: {  	s26 =	sadd.s32 $0xFFFF8000, s2;
	v2 =	vor.u32 s24, v1;
	v3 =	vld.idx.msk [tilespmem:v61+s10+$0x0], $0xffff  }
0x2c4: {  	v62 =	vor.u32 s26, v0;
	_ =	sdelay $0x3  }
0x2c5: {  	[tilespmem:v2+s13+$0x0] =	vst.idx.msk $0xffff, v3  }
0x2c6: {  	s28 =	sadd.s32 $0xFFFF8010, s2;
	v3 =	vor.u32 s0, v0;
	v2 =	vld.idx.msk [tilespmem:v62+s10+$0x0], $0xffff  }
0x2c7: {  	v63 =	vor.u32 s28, v0;
	_ =	sdelay $0x3  }
0x2c8: {  	[tilespmem:v3+s13+$0x0] =	vst.idx.msk $0xffff, v2  }
0x2c9: {  	v2 =	vor.u32 s0, v1;
	v3 =	vld.idx.msk [tilespmem:v63+s10+$0x0], $0xffff;
	_ =	sdelay $0x2  }
0x2ca: {  	s29 =	sld [smem:$0x7FC];
	_ =	sdelay $0x1  }
0x2cb: {  	s1 =	simm.s32 $0x2;
	s8 =	simm.s32 $0x0;
	[tilespmem:v2+s13+$0x0] =	vst.idx.msk $0xffff, v3  }
0x2cc: {  	[hbm4b:s29+s8] =	stream.linear.scatter [tilespmem:s13], [sflag:$0x2], $0x10000, $0x38;
	[tilespmem:$0x18400] =	vst v63  }
0x2cd: {  	_ =	swait.ge [sflag:s1], $0x10000  }
0x2ce: {  	s30 =	sld [smem:$0x7F9]  }
0x2cf: {  	s31 =	sld [smem:$0x7FD];
	_ =	sdelay $0x1  }
0x2d0: {  	s2 =	sadd.s32 $0x1, s30  }
0x2d1: {  	p0 =	sne.s32 s2, s31  }
.Ltmp2:
0x2d2: {  	_ = 	snop;
	(pc) =	sbr.rel @p0 .LBB2_1-.Ltmp2, $3  }
0x2d3: {  	_ =	sdelay $0x1  }
0x2d4: {  	[sflag:s1] =	ssyncset.done $0x0  }
0x2d5: {  	[sflag:s1] =	ssyncadd.s32 $0xFFFF0000  }
0x2d6: {  	_ =	sfence.sel $0x180000  }
0x2d7: {  	[bflag:$0x0] =	sbarrier.arrive $0xFFFF  }
0x2d8: {  	_ =	strace $0x90000047  }
0x2d9: {  	s0 =	stileid.u32;
	[bflag:$0x2] =	sbarrier.arrive $0xFFFF  }
0x2da: {  	p0 =	sne.s32 s0, $0x0;
	s0 =	rddreg [dreg:$0x4]  }
0x2db: {  	s0 =	sadd.s32 @!p0 $0x100000, s0  }
0x2dc: {  	[sflag:s0] =	ssyncadd.tile.s32 @!p0 $0x1;
	_ =	shalt  }
.Lfunc_end2:
_tile_overlayer_lowered:
.L_overlay_start_2:
0x2dd: {  	(tag) =	ssettag $0x2  }
0x2de: {  	s0 =	rddreg [dreg:$0x0];
	s2 =	stileid.u32  }
0x2df: {  	s1 =	rddreg [dreg:$0x1];
	p0 =	sne.s32 s2, $0x0  }
0x2e0: {  	s3 =	rddreg [dreg:$0x2];
	[bflag:$0x3] =	sbarrier.arrive $0xFFFF;
	s2 =	simm.s32 @!p0 $0x1C02  }
0x2e1: {  	[timem:s3], [sflag:s2] =	dma.local @!p0 [hbm:s0], s1  }
0x2e2: {  	s0 =	simm.s32 @!p0 $0x2  }
0x2e3: {  	_ =	swait.ge @!p0 [sflag:s0], s1  }
0x2e4: {  	s1 =	ssub.s32 @!p0 $0x0, s1;
	[sflag:s0] =	ssyncset.done @!p0 $0x0  }
0x2e5: {  	[sflag:s0] =	ssyncadd.s32 @!p0 s1  }
0x2e6: {  	[bflag:$0x3] =	sbarrier.arrive $0xFFFF  }
0x2e7: {  	_ =	shalt  }

</sc_bundles>
